<compile_context>
chip_gen: v7x
topology: tpu7x:2x2x1
jax: 0.10.2.dev20260603
libtpu: 0.0.44.dev20260713+nightly
codegen_flags: <defaults>
</compile_context>

<pallas_src>
import functools

import jax
import jax.numpy as jnp
from jax import lax
from jax.experimental import pallas as pl
from jax.experimental.pallas import tpu as pltpu
from jax.experimental.pallas import tpu_sc as plsc

N = 10000
NPAD = 10240
E = 320000
CH = 128
NCHUNK = 2560
EPAD = NCHUNK * CH
NSUB = 16
NCORE = 2
CPW = NCHUNK // (NSUB * NCORE)
CPS1 = NCHUNK // NSUB
CPS2 = NCHUNK // (NSUB * NCORE)
G = 40
STRIPE = NPAD // NSUB

_mesh = plsc.VectorSubcoreMesh(core_axis_name="c", subcore_axis_name="s")


@functools.partial(
    pl.kernel,
    out_type=jax.ShapeDtypeStruct((NCORE, NPAD), jnp.float32),
    mesh=_mesh,
    scratch_types=[
        pltpu.VMEM((CPW, CH), jnp.int32),
        pltpu.VMEM((CH,), jnp.float32),
        pltpu.VMEM((STRIPE,), jnp.float32),
        pltpu.VMEM_SHARED((NPAD,), jnp.float32),
        pltpu.SemaphoreType.DMA,
    ],
)
def _deg_kernel(adj_hbm, deg_hbm, idx_v, ones_v, zeros_v, deg_sh, sem):
    c = lax.axis_index("c")
    s = lax.axis_index("s")
    w = c * NSUB + s

    @pl.loop(0, CH, step=16)
    def _(i):
        ones_v[pl.ds(i, 16)] = jnp.ones((16,), jnp.float32)

    @pl.loop(0, STRIPE, step=16)
    def _(i):
        zeros_v[pl.ds(i, 16)] = jnp.zeros((16,), jnp.float32)

    pltpu.sync_copy(zeros_v, deg_sh.at[pl.ds(s * STRIPE, STRIPE)])
    pltpu.sync_copy(adj_hbm.at[1, pl.ds(w * CPW, CPW)], idx_v)
    plsc.subcore_barrier()

    @pl.loop(0, CPW)
    def _(j):
        pltpu.make_async_copy(ones_v, deg_sh.at[idx_v.at[j]],
                              sem).start(add=True)

    @pl.loop(0, CPW)
    def _(j):
        pltpu.make_async_copy(ones_v, deg_sh.at[idx_v.at[j]], sem).wait()

    plsc.subcore_barrier()
    pltpu.sync_copy(deg_sh.at[pl.ds(s * STRIPE, STRIPE)],
                    deg_hbm.at[c, pl.ds(s * STRIPE, STRIPE)])


def _make_prop(per_core_table):
    cps = CPS1 if per_core_table else CPS2

    @functools.partial(
        pl.kernel,
        out_type=jax.ShapeDtypeStruct((NCORE, NPAD, 128), jnp.float32),
        mesh=_mesh,
        scratch_types=[
            pltpu.VMEM((G, CH), jnp.int32),
            pltpu.VMEM((G, CH), jnp.int32),
            pltpu.VMEM((CH, 128), jnp.float32),
            pltpu.VMEM((CH, 128), jnp.float32),
            pltpu.VMEM_SHARED((NPAD, 128), jnp.float32),
            pltpu.SemaphoreType.DMA,
            pltpu.SemaphoreType.DMA,
            pltpu.SemaphoreType.DMA,
            pltpu.SemaphoreType.DMA,
        ],
    )
    def _prop(table_hbm, adj_hbm, z_hbm, src_v, dst_v,
              rows0, rows1, z_sh, gsem0, gsem1, ssem0, ssem1):
        c = lax.axis_index("c")
        s = lax.axis_index("s")
        table = table_hbm.at[c] if per_core_table else table_hbm
        if per_core_table:
            base = s * cps
        else:
            base = c * (NCHUNK // NCORE) + s * cps

        def gather(j, rows, sem):
            return pltpu.make_async_copy(table.at[src_v.at[j]], rows, sem)

        def scatter(j, rows, sem):
            return pltpu.make_async_copy(rows, z_sh.at[dst_v.at[j]], sem)

        pltpu.sync_copy(table.at[pl.ds(s * STRIPE, STRIPE)],
                        z_sh.at[pl.ds(s * STRIPE, STRIPE)])
        plsc.subcore_barrier()

        @pl.loop(0, cps, step=G)
        def _(g):
            ls = pltpu.make_async_copy(
                adj_hbm.at[0, pl.ds(base + g, G)], src_v, gsem0)
            ld = pltpu.make_async_copy(
                adj_hbm.at[1, pl.ds(base + g, G)], dst_v, gsem1)
            ls.start()
            ld.start()
            ls.wait()
            ld.wait()
            gather(0, rows0, gsem0).start()

            @pl.loop(0, G, step=2)
            def _(j):
                @pl.when(j > 0)
                def _():
                    scatter(j, rows1, ssem1).wait()
                gather(j + 1, rows1, gsem1).start()
                gather(j, rows0, gsem0).wait()
                scatter(j, rows0, ssem0).start(add=True)
                scatter(j, rows0, ssem0).wait()

                @pl.when(j + 2 < G)
                def _():
                    gather(j + 2, rows0, gsem0).start()
                gather(j + 1, rows1, gsem1).wait()
                scatter(j + 1, rows1, ssem1).start(add=True)

            scatter(0, rows1, ssem1).wait()

        plsc.subcore_barrier()
        pltpu.sync_copy(z_sh.at[pl.ds(s * STRIPE, STRIPE)],
                        z_hbm.at[c, pl.ds(s * STRIPE, STRIPE)])

    return _prop


_prop1 = _make_prop(True)
_prop2 = _make_prop(False)


_BM = 2560


def _dot(a, b):
    return jax.lax.dot_general(a, b, (((1,), (0,)), ((), ())),
                               precision=lax.Precision.DEFAULT,
                               preferred_element_type=jnp.float32)


def _dinv_of(deg_ref):
    d = deg_ref[...]
    return lax.rsqrt(1.0 + d[0] + d[1])[:, None]


def _mm_scale(x, w, deg2):

    def body(x_ref, w_ref, deg_ref, o_ref, dinv_ref):
        dinv = _dinv_of(deg_ref)
        y = _dot(x_ref[...], w_ref[...])
        o_ref[0] = y[:, :128] * dinv
        o_ref[1] = y[:, 128:] * dinv
        dinv_ref[...] = dinv

    return pl.pallas_call(
        body,
        grid=(NPAD // _BM,),
        in_specs=[pl.BlockSpec((_BM, 128), lambda i: (i, 0)),
                  pl.BlockSpec((128, 256), lambda i: (0, 0)),
                  pl.BlockSpec((2, _BM), lambda i: (0, i))],
        out_specs=[pl.BlockSpec((2, _BM, 128), lambda i: (0, i, 0)),
                   pl.BlockSpec((_BM, 1), lambda i: (i, 0))],
        out_shape=[jax.ShapeDtypeStruct((2, NPAD, 128), jnp.float32),
                   jax.ShapeDtypeStruct((NPAD, 1), jnp.float32)],
    )(x, w, deg2)


def _layer2(z1, dinv1, b1, w2):

    def body(z_ref, dinv_ref, b1_ref, w2_ref, o_ref):
        dinv = dinv_ref[...]
        b = b1_ref[...]
        h0 = jnp.maximum(z_ref[0] * dinv + b[None, :128], 0.0)
        h1 = jnp.maximum(z_ref[1] * dinv + b[None, 128:], 0.0)
        y = _dot(h0, w2_ref[:128]) + _dot(h1, w2_ref[128:])
        o_ref[...] = y * dinv

    return pl.pallas_call(
        body,
        grid=(NPAD // _BM,),
        in_specs=[pl.BlockSpec((2, _BM, 128), lambda i: (0, i, 0)),
                  pl.BlockSpec((_BM, 1), lambda i: (i, 0)),
                  pl.BlockSpec((256,), lambda i: (0,)),
                  pl.BlockSpec((256, 128), lambda i: (0, 0))],
        out_specs=pl.BlockSpec((_BM, 128), lambda i: (i, 0)),
        out_shape=jax.ShapeDtypeStruct((NPAD, 128), jnp.float32),
    )(z1, dinv1, b1, w2)


_BMF = 5000


def _finalize(z2, xws2, dinv1, b2):

    def body(z_ref, t_ref, dinv_ref, b2_ref, o_ref):
        dinv = dinv_ref[...]
        b = b2_ref[...]
        o_ref[...] = (z_ref[0] + z_ref[1] - t_ref[...]) * dinv + b[None, :]

    return pl.pallas_call(
        body,
        grid=(N // _BMF,),
        in_specs=[pl.BlockSpec((2, _BMF, 128), lambda i: (0, i, 0)),
                  pl.BlockSpec((_BMF, 128), lambda i: (i, 0)),
                  pl.BlockSpec((_BMF, 1), lambda i: (i, 0)),
                  pl.BlockSpec((128,), lambda i: (0,))],
        out_specs=pl.BlockSpec((_BMF, 128), lambda i: (i, 0)),
        out_shape=jax.ShapeDtypeStruct((N, 128), jnp.float32),
    )(z2, xws2, dinv1, b2)


def kernel(x, adj_t, W1, b1, W2, b2):
    adjp = jnp.pad(adj_t.astype(jnp.int32),
                   ((0, 0), (0, EPAD - E))).reshape(2, NCHUNK, CH)
    chunkid = lax.broadcasted_iota(jnp.int32, (NCHUNK, CH), 0)
    col = lax.broadcasted_iota(jnp.int32, (NCHUNK, CH), 1)
    pos = chunkid * CH + col
    trash = N + pos % (NPAD - N)
    adj3 = jnp.where((pos < E)[None], adjp, trash[None])
    x_pad = jnp.pad(x, ((0, NPAD - N), (0, 0)))

    deg2 = _deg_kernel(adj3)
    xws1, dinv1 = _mm_scale(x_pad, W1, deg2)
    z1 = _prop1(xws1, adj3)
    xws2 = _layer2(z1, dinv1, b1, W2)
    z2 = _prop2(xws2, adj3)
    return _finalize(z2, xws2, dinv1, b2)

# --- scband reference (transcript-rebuilt; emitter-appended) ---
"""Pipeline reference for scband-gcn-9431748182824 (READ-ONLY COPY).

The authoritative reference and input builder live on the scoring server;
editing this copy changes nothing except your own understanding.
"""

import jax, jax.numpy as jnp
import numpy as np

N_NODES = 10000
N_EDGES = 320000
IN_CH = 128
HID_CH = 256
OUT_CH = 128


def _gcn_conv(x, W, b, src, dst, num_nodes):
    # add self loops (PyG GCNConv default)
    loop = jnp.arange(num_nodes, dtype=src.dtype)
    src2 = jnp.concatenate([src, loop])
    dst2 = jnp.concatenate([dst, loop])
    # symmetric normalization: deg^{-1/2}[src] * deg^{-1/2}[dst]
    deg = jnp.zeros((num_nodes,), dtype=x.dtype).at[dst2].add(1.0)
    dinv = jnp.where(deg > 0, 1.0 / jnp.sqrt(deg), 0.0)
    norm = dinv[src2] * dinv[dst2]
    # linear transform then propagate
    xw = x @ W
    msg = xw[src2] * norm[:, None]
    out = jnp.zeros((num_nodes, W.shape[1]), dtype=x.dtype).at[dst2].add(msg)
    return out + b


def setup_inputs(seed: int = 0) -> dict:
    key = jax.random.key(seed)
    k1, k2, k3, k4, k5 = jax.random.split(key, 5)
    x = jax.random.normal(k1, (N_NODES, IN_CH), dtype=jnp.float32)
    adj_t = jax.random.randint(k2, (2, N_EDGES), 0, N_NODES, dtype=jnp.int64)
    # glorot-style init for conv weights (PyG GCNConv lin layers)
    s1 = float(np.sqrt(6.0 / (IN_CH + HID_CH)))
    s2 = float(np.sqrt(6.0 / (HID_CH + OUT_CH)))
    W1 = jax.random.uniform(k3, (IN_CH, HID_CH), dtype=jnp.float32, minval=-s1, maxval=s1)
    b1 = jnp.zeros((HID_CH,), dtype=jnp.float32)
    W2 = jax.random.uniform(k4, (HID_CH, OUT_CH), dtype=jnp.float32, minval=-s2, maxval=s2)
    b2 = jnp.zeros((OUT_CH,), dtype=jnp.float32)
    return {"x": x, "adj_t": adj_t, "W1": W1, "b1": b1, "W2": W2, "b2": b2}


def reference(x, adj_t, W1, b1, W2, b2):
    src = adj_t[0]
    dst = adj_t[1]
    # layer 1: GCNConv -> relu -> dropout(identity in eval)
    h = _gcn_conv(x, W1, b1, src, dst, N_NODES)
    h = jax.nn.relu(h)
    # layer 2: GCNConv (output layer)
    out = _gcn_conv(h, W2, b2, src, dst, N_NODES)
    return out

if __name__ == "__main__":
    import jax
    _d = setup_inputs()
    print(jax.jit(kernel)(*tuple(_d.values())))

</pallas_src>

<mosaic_0001>
#map = affine_map<(d0, d1) -> (0, 0, 0)>
#map1 = affine_map<(d0, d1) -> (0, 0)>
module attributes {stable_mosaic.version = 14 : i64} {
  func.func @_deg_kernel(%arg0: i32, %arg1: i32, %arg2: memref<2x2560x128xi32, #tpu.memory_space<hbm>>, %arg3: memref<2x10240xf32, #tpu.memory_space<hbm>>, %arg4: memref<80x128xi32, #tpu.memory_space<vmem>>, %arg5: memref<128xf32, #tpu.memory_space<vmem>>, %arg6: memref<640xf32, #tpu.memory_space<vmem>>, %arg7: memref<10240xf32, #tpu.memory_space<vmem_shared>>, %arg8: memref<!tpu.dma_semaphore, #tpu.memory_space<semaphore_mem>>) attributes {dimension_semantics = [#tpu.dimension_semantics<core_parallel>, #tpu.dimension_semantics<subcore_parallel>], iteration_bounds = array<i64: 2, 16>, scalar_prefetch = 0 : i64, scratch_operands = 5 : i64, tpu.core_type = #tpu.core_type<sc_vector_subcore>, window_params = [{transform_indices = #map}, {transform_indices = #map1}]} {
    %mul3A = arith.constant 16 : i32
    %mul3A_0 = arith.muli %arg0, %mul3A : i32
    %add3A = arith.addi %mul3A_0, %arg1 : i32
    %scan3A = arith.constant 0 : i32
    %scan3A_1 = arith.constant 8 : i32
    %scan3A_2 = arith.addi %scan3A, %scan3A_1 : i32
    %scan3A_3 = arith.constant 1 : i32
    scf.for %scan3A_29 = %scan3A to %scan3A_2 step %scan3A_3  : i32 {
      %mul3A_30 = arith.constant 16 : i32
      %mul3A_31 = arith.muli %scan3A_29, %mul3A_30 : i32
      %add3A_32 = arith.constant 0 : i32
      %add3A_33 = arith.addi %add3A_32, %mul3A_31 : i32
      %broadcast_in_dim3A = arith.constant 1.000000e+00 : f32
      %broadcast_in_dim3A_34 = vector.broadcast %broadcast_in_dim3A : f32 to vector<16xf32>
      %swap3A = arith.index_cast %add3A_33 : i32 to index
      %swap3A_35 = tpu.vector_load %arg5[%swap3A] {strides = array<i32>} : memref<128xf32, #tpu.memory_space<vmem>>, vector<16xf32>,
      %swap3A_36 = vector.shape_cast %swap3A_35 : vector<16xf32> to vector<16xf32>
      %swap3A_37 = vector.shape_cast %broadcast_in_dim3A_34 : vector<16xf32> to vector<16xf32>
      tpu.vector_store %arg5[%swap3A], %swap3A_37 {strides = array<i32>} : memref<128xf32, #tpu.memory_space<vmem>>, vector<16xf32>,
    }
    %scan3A_4 = arith.constant 8 : i32
    %scan3A_5 = arith.constant 0 : i32
    %scan3A_6 = arith.constant 40 : i32
    %scan3A_7 = arith.addi %scan3A_5, %scan3A_6 : i32
    %scan3A_8 = arith.constant 1 : i32
    scf.for %scan3A_29 = %scan3A_5 to %scan3A_7 step %scan3A_8  : i32 {
      %mul3A_30 = arith.constant 16 : i32
      %mul3A_31 = arith.muli %scan3A_29, %mul3A_30 : i32
      %add3A_32 = arith.constant 0 : i32
      %add3A_33 = arith.addi %add3A_32, %mul3A_31 : i32
      %broadcast_in_dim3A = arith.constant 0.000000e+00 : f32
      %broadcast_in_dim3A_34 = vector.broadcast %broadcast_in_dim3A : f32 to vector<16xf32>
      %swap3A = arith.index_cast %add3A_33 : i32 to index
      %swap3A_35 = tpu.vector_load %arg6[%swap3A] {strides = array<i32>} : memref<640xf32, #tpu.memory_space<vmem>>, vector<16xf32>,
      %swap3A_36 = vector.shape_cast %swap3A_35 : vector<16xf32> to vector<16xf32>
      %swap3A_37 = vector.shape_cast %broadcast_in_dim3A_34 : vector<16xf32> to vector<16xf32>
      tpu.vector_store %arg6[%swap3A], %swap3A_37 {strides = array<i32>} : memref<640xf32, #tpu.memory_space<vmem>>, vector<16xf32>,
    }
    %scan3A_9 = arith.constant 40 : i32
    %mul3A_10 = arith.constant 640 : i32
    %mul3A_11 = arith.muli %arg1, %mul3A_10 : i32
    "tpu.region"() ({
      %run_scoped3A_29 = tpu.sem_alloc : memref<!tpu.dma_semaphore, #tpu.memory_space<semaphore_mem>>
      %dma_start3A = tpu.memref_slice %arg7[%mul3A_11] : memref<10240xf32, #tpu.memory_space<vmem_shared>> -> memref<640xf32, #tpu.memory_space<vmem_shared>>
      %dma_start3A_30 = tpu.memref_slice %arg7[%mul3A_11] : memref<10240xf32, #tpu.memory_space<vmem_shared>> -> memref<640xf32, #tpu.memory_space<vmem_shared>>
      tpu.enqueue_dma source(%arg6 : memref<640xf32, #tpu.memory_space<vmem>>) target(%dma_start3A_30 : memref<640xf32, #tpu.memory_space<vmem_shared>>) target_semaphore(%run_scoped3A_29 : memref<!tpu.dma_semaphore, #tpu.memory_space<semaphore_mem>>)
      %dma_wait3A = tpu.memref_slice %arg7[%mul3A_11] : memref<10240xf32, #tpu.memory_space<vmem_shared>> -> memref<640xf32, #tpu.memory_space<vmem_shared>>
      %dma_wait3A_31 = tpu.memref_slice %arg7[%mul3A_11] : memref<10240xf32, #tpu.memory_space<vmem_shared>> -> memref<640xf32, #tpu.memory_space<vmem_shared>>
      tpu.wait_dma2 semaphore(%run_scoped3A_29 : memref<!tpu.dma_semaphore, #tpu.memory_space<semaphore_mem>>) src(%arg6 : memref<640xf32, #tpu.memory_space<vmem>>) dst(%dma_wait3A_31 : memref<640xf32, #tpu.memory_space<vmem_shared>>)
      tpu.yield
    }) : () -> ()
    %mul3A_12 = arith.constant 80 : i32
    %mul3A_13 = arith.muli %add3A, %mul3A_12 : i32
    %run_scoped3A = arith.constant 1 : i32
    "tpu.region"() ({
      %run_scoped3A_29 = tpu.sem_alloc : memref<!tpu.dma_semaphore, #tpu.memory_space<semaphore_mem>>
      %dma_start3A = arith.constant 0 : i32
      %dma_start3A_30 = tpu.memref_slice %arg2[%run_scoped3A, %mul3A_13, %dma_start3A] : memref<2x2560x128xi32, #tpu.memory_space<hbm>> -> memref<1x80x128xi32, #tpu.memory_space<hbm>>
      %dma_start3A_31 = tpu.memref_squeeze %dma_start3A_30 : memref<1x80x128xi32, #tpu.memory_space<hbm>> -> memref<80x128xi32, #tpu.memory_space<hbm>>
      %dma_start3A_32 = arith.constant 0 : i32
      %dma_start3A_33 = tpu.memref_slice %arg2[%run_scoped3A, %mul3A_13, %dma_start3A_32] : memref<2x2560x128xi32, #tpu.memory_space<hbm>> -> memref<1x80x128xi32, #tpu.memory_space<hbm>>
      %dma_start3A_34 = tpu.memref_squeeze %dma_start3A_33 : memref<1x80x128xi32, #tpu.memory_space<hbm>> -> memref<80x128xi32, #tpu.memory_space<hbm>>
      tpu.enqueue_dma source(%dma_start3A_34 : memref<80x128xi32, #tpu.memory_space<hbm>>) target(%arg4 : memref<80x128xi32, #tpu.memory_space<vmem>>) target_semaphore(%run_scoped3A_29 : memref<!tpu.dma_semaphore, #tpu.memory_space<semaphore_mem>>)
      %dma_wait3A = arith.constant 0 : i32
      %dma_wait3A_35 = tpu.memref_slice %arg2[%run_scoped3A, %mul3A_13, %dma_wait3A] : memref<2x2560x128xi32, #tpu.memory_space<hbm>> -> memref<1x80x128xi32, #tpu.memory_space<hbm>>
      %dma_wait3A_36 = tpu.memref_squeeze %dma_wait3A_35 : memref<1x80x128xi32, #tpu.memory_space<hbm>> -> memref<80x128xi32, #tpu.memory_space<hbm>>
      %dma_wait3A_37 = arith.constant 0 : i32
      %dma_wait3A_38 = tpu.memref_slice %arg2[%run_scoped3A, %mul3A_13, %dma_wait3A_37] : memref<2x2560x128xi32, #tpu.memory_space<hbm>> -> memref<1x80x128xi32, #tpu.memory_space<hbm>>
      %dma_wait3A_39 = tpu.memref_squeeze %dma_wait3A_38 : memref<1x80x128xi32, #tpu.memory_space<hbm>> -> memref<80x128xi32, #tpu.memory_space<hbm>>
      tpu.wait_dma2 semaphore(%run_scoped3A_29 : memref<!tpu.dma_semaphore, #tpu.memory_space<semaphore_mem>>) src(%dma_wait3A_39 : memref<80x128xi32, #tpu.memory_space<hbm>>) dst(%arg4 : memref<80x128xi32, #tpu.memory_space<vmem>>)
      tpu.yield
    }) : () -> ()
    %barrier3A = arith.constant 0 : index
    tpu.barrier barrier_id(%barrier3A)
    %scan3A_14 = arith.constant 0 : i32
    %scan3A_15 = arith.constant 80 : i32
    %scan3A_16 = arith.addi %scan3A_14, %scan3A_15 : i32
    %scan3A_17 = arith.constant 1 : i32
    scf.for %scan3A_29 = %scan3A_14 to %scan3A_16 step %scan3A_17  : i32 {
      %mul3A_30 = arith.constant 1 : i32
      %mul3A_31 = arith.muli %scan3A_29, %mul3A_30 : i32
      %add3A_32 = arith.constant 0 : i32
      %add3A_33 = arith.addi %add3A_32, %mul3A_31 : i32
      %dma_start3A = arith.constant 0 : i32
      %dma_start3A_34 = tpu.memref_slice %arg4[%add3A_33, %dma_start3A] : memref<80x128xi32, #tpu.memory_space<vmem>> -> memref<1x128xi32, #tpu.memory_space<vmem>>
      %dma_start3A_35 = tpu.memref_squeeze %dma_start3A_34 : memref<1x128xi32, #tpu.memory_space<vmem>> -> memref<128xi32, #tpu.memory_space<vmem>>
      %dma_start3A_36 = arith.constant 0 : i32
      %dma_start3A_37 = tpu.memref_slice %arg7[%dma_start3A_36] : memref<10240xf32, #tpu.memory_space<vmem_shared>> -> memref<10240xf32, #tpu.memory_space<vmem_shared>>
      tpu.enqueue_indirect_dma source(%arg5 : memref<128xf32, #tpu.memory_space<vmem>>) target(%dma_start3A_37 : memref<10240xf32, #tpu.memory_space<vmem_shared>>) offsets(%dma_start3A_35 : memref<128xi32, #tpu.memory_space<vmem>>) semaphore(%arg8 : memref<!tpu.dma_semaphore, #tpu.memory_space<semaphore_mem>>) {add = true}
    }
    %scan3A_18 = arith.constant 80 : i32
    %scan3A_19 = arith.constant 0 : i32
    %scan3A_20 = arith.constant 80 : i32
    %scan3A_21 = arith.addi %scan3A_19, %scan3A_20 : i32
    %scan3A_22 = arith.constant 1 : i32
    scf.for %scan3A_29 = %scan3A_19 to %scan3A_21 step %scan3A_22  : i32 {
      %mul3A_30 = arith.constant 1 : i32
      %mul3A_31 = arith.muli %scan3A_29, %mul3A_30 : i32
      %add3A_32 = arith.constant 0 : i32
      %add3A_33 = arith.addi %add3A_32, %mul3A_31 : i32
      %dma_wait3A = arith.constant 0 : i32
      %dma_wait3A_34 = tpu.memref_slice %arg4[%add3A_33, %dma_wait3A] : memref<80x128xi32, #tpu.memory_space<vmem>> -> memref<1x128xi32, #tpu.memory_space<vmem>>
      %dma_wait3A_35 = tpu.memref_squeeze %dma_wait3A_34 : memref<1x128xi32, #tpu.memory_space<vmem>> -> memref<128xi32, #tpu.memory_space<vmem>>
      %dma_wait3A_36 = arith.constant 0 : i32
      %dma_wait3A_37 = tpu.memref_slice %arg7[%dma_wait3A_36] : memref<10240xf32, #tpu.memory_space<vmem_shared>> -> memref<10240xf32, #tpu.memory_space<vmem_shared>>
      tpu.wait_indirect_dma semaphore(%arg8 : memref<!tpu.dma_semaphore, #tpu.memory_space<semaphore_mem>>) src(%arg5 : memref<128xf32, #tpu.memory_space<vmem>>) dst(%dma_wait3A_37 : memref<10240xf32, #tpu.memory_space<vmem_shared>>)
    }
    %scan3A_23 = arith.constant 80 : i32
    %barrier3A_24 = arith.constant 0 : index
    tpu.barrier barrier_id(%barrier3A_24)
    %mul3A_25 = arith.constant 640 : i32
    %mul3A_26 = arith.muli %arg1, %mul3A_25 : i32
    %mul3A_27 = arith.constant 640 : i32
    %mul3A_28 = arith.muli %arg1, %mul3A_27 : i32
    "tpu.region"() ({
      %run_scoped3A_29 = tpu.sem_alloc : memref<!tpu.dma_semaphore, #tpu.memory_space<semaphore_mem>>
      %dma_start3A = tpu.memref_slice %arg3[%arg0, %mul3A_28] : memref<2x10240xf32, #tpu.memory_space<hbm>> -> memref<1x640xf32, #tpu.memory_space<hbm>>
      %dma_start3A_30 = tpu.memref_squeeze %dma_start3A : memref<1x640xf32, #tpu.memory_space<hbm>> -> memref<640xf32, #tpu.memory_space<hbm>>
      %dma_start3A_31 = tpu.memref_slice %arg7[%mul3A_26] : memref<10240xf32, #tpu.memory_space<vmem_shared>> -> memref<640xf32, #tpu.memory_space<vmem_shared>>
      tpu.enqueue_dma source(%dma_start3A_31 : memref<640xf32, #tpu.memory_space<vmem_shared>>) target(%dma_start3A_30 : memref<640xf32, #tpu.memory_space<hbm>>) target_semaphore(%run_scoped3A_29 : memref<!tpu.dma_semaphore, #tpu.memory_space<semaphore_mem>>)
      %dma_wait3A = tpu.memref_slice %arg3[%arg0, %mul3A_28] : memref<2x10240xf32, #tpu.memory_space<hbm>> -> memref<1x640xf32, #tpu.memory_space<hbm>>
      %dma_wait3A_32 = tpu.memref_squeeze %dma_wait3A : memref<1x640xf32, #tpu.memory_space<hbm>> -> memref<640xf32, #tpu.memory_space<hbm>>
      %dma_wait3A_33 = tpu.memref_slice %arg7[%mul3A_26] : memref<10240xf32, #tpu.memory_space<vmem_shared>> -> memref<640xf32, #tpu.memory_space<vmem_shared>>
      tpu.wait_dma2 semaphore(%run_scoped3A_29 : memref<!tpu.dma_semaphore, #tpu.memory_space<semaphore_mem>>) src(%dma_wait3A_33 : memref<640xf32, #tpu.memory_space<vmem_shared>>) dst(%dma_wait3A_32 : memref<640xf32, #tpu.memory_space<hbm>>)
      tpu.yield
    }) : () -> ()
    return
  }
}

#map = affine_map<(d0, d1) -> (0, 0, 0)>
module attributes {stable_mosaic.version = 14 : i64} {
  func.func @_prop(%arg0: i32, %arg1: i32, %arg2: memref<2x10240x128xf32, #tpu.memory_space<hbm>>, %arg3: memref<2x2560x128xi32, #tpu.memory_space<hbm>>, %arg4: memref<2x10240x128xf32, #tpu.memory_space<hbm>>, %arg5: memref<40x128xi32, #tpu.memory_space<vmem>>, %arg6: memref<40x128xi32, #tpu.memory_space<vmem>>, %arg7: memref<128x128xf32, #tpu.memory_space<vmem>>, %arg8: memref<128x128xf32, #tpu.memory_space<vmem>>, %arg9: memref<10240x128xf32, #tpu.memory_space<vmem_shared>>, %arg10: memref<!tpu.dma_semaphore, #tpu.memory_space<semaphore_mem>>, %arg11: memref<!tpu.dma_semaphore, #tpu.memory_space<semaphore_mem>>, %arg12: memref<!tpu.dma_semaphore, #tpu.memory_space<semaphore_mem>>, %arg13: memref<!tpu.dma_semaphore, #tpu.memory_space<semaphore_mem>>) attributes {dimension_semantics = [#tpu.dimension_semantics<core_parallel>, #tpu.dimension_semantics<subcore_parallel>], iteration_bounds = array<i64: 2, 16>, scalar_prefetch = 0 : i64, scratch_operands = 9 : i64, tpu.core_type = #tpu.core_type<sc_vector_subcore>, window_params = [{transform_indices = #map}, {transform_indices = #map}, {transform_indices = #map}]} {
    %mul3A = arith.constant 160 : i32
    %mul3A_0 = arith.muli %arg1, %mul3A : i32
    %mul3A_1 = arith.constant 640 : i32
    %mul3A_2 = arith.muli %arg1, %mul3A_1 : i32
    %mul3A_3 = arith.constant 640 : i32
    %mul3A_4 = arith.muli %arg1, %mul3A_3 : i32
    "tpu.region"() ({
      %run_scoped3A = tpu.sem_alloc : memref<!tpu.dma_semaphore, #tpu.memory_space<semaphore_mem>>
      %dma_start3A = arith.constant 0 : i32
      %dma_start3A_14 = tpu.memref_slice %arg9[%mul3A_4, %dma_start3A] : memref<10240x128xf32, #tpu.memory_space<vmem_shared>> -> memref<640x128xf32, #tpu.memory_space<vmem_shared>>
      %dma_start3A_15 = arith.constant 0 : i32
      %dma_start3A_16 = arith.constant 0 : i32
      %dma_start3A_17 = tpu.memref_slice %arg2[%arg0, %dma_start3A_15, %dma_start3A_16] : memref<2x10240x128xf32, #tpu.memory_space<hbm>> -> memref<1x10240x128xf32, #tpu.memory_space<hbm>>
      %dma_start3A_18 = tpu.memref_squeeze %dma_start3A_17 : memref<1x10240x128xf32, #tpu.memory_space<hbm>> -> memref<10240x128xf32, #tpu.memory_space<hbm>>
      %dma_start3A_19 = arith.constant 0 : i32
      %dma_start3A_20 = tpu.memref_slice %dma_start3A_18[%mul3A_2, %dma_start3A_19] : memref<10240x128xf32, #tpu.memory_space<hbm>> -> memref<640x128xf32, #tpu.memory_space<hbm>>
      tpu.enqueue_dma source(%dma_start3A_20 : memref<640x128xf32, #tpu.memory_space<hbm>>) target(%dma_start3A_14 : memref<640x128xf32, #tpu.memory_space<vmem_shared>>) target_semaphore(%run_scoped3A : memref<!tpu.dma_semaphore, #tpu.memory_space<semaphore_mem>>)
      %dma_wait3A = arith.constant 0 : i32
      %dma_wait3A_21 = tpu.memref_slice %arg9[%mul3A_4, %dma_wait3A] : memref<10240x128xf32, #tpu.memory_space<vmem_shared>> -> memref<640x128xf32, #tpu.memory_space<vmem_shared>>
      %dma_wait3A_22 = arith.constant 0 : i32
      %dma_wait3A_23 = arith.constant 0 : i32
      %dma_wait3A_24 = tpu.memref_slice %arg2[%arg0, %dma_wait3A_22, %dma_wait3A_23] : memref<2x10240x128xf32, #tpu.memory_space<hbm>> -> memref<1x10240x128xf32, #tpu.memory_space<hbm>>
      %dma_wait3A_25 = tpu.memref_squeeze %dma_wait3A_24 : memref<1x10240x128xf32, #tpu.memory_space<hbm>> -> memref<10240x128xf32, #tpu.memory_space<hbm>>
      %dma_wait3A_26 = arith.constant 0 : i32
      %dma_wait3A_27 = tpu.memref_slice %dma_wait3A_25[%mul3A_2, %dma_wait3A_26] : memref<10240x128xf32, #tpu.memory_space<hbm>> -> memref<640x128xf32, #tpu.memory_space<hbm>>
      tpu.wait_dma2 semaphore(%run_scoped3A : memref<!tpu.dma_semaphore, #tpu.memory_space<semaphore_mem>>) src(%dma_wait3A_27 : memref<640x128xf32, #tpu.memory_space<hbm>>) dst(%dma_wait3A_21 : memref<640x128xf32, #tpu.memory_space<vmem_shared>>)
      tpu.yield
    }) : () -> ()
    %barrier3A = arith.constant 0 : index
    tpu.barrier barrier_id(%barrier3A)
    %scan3A = arith.constant 0 : i32
    %scan3A_5 = arith.constant 4 : i32
    %scan3A_6 = arith.addi %scan3A, %scan3A_5 : i32
    %scan3A_7 = arith.constant 1 : i32
    scf.for %scan3A_14 = %scan3A to %scan3A_6 step %scan3A_7  : i32 {
      %mul3A_15 = arith.constant 40 : i32
      %mul3A_16 = arith.muli %scan3A_14, %mul3A_15 : i32
      %add3A = arith.constant 0 : i32
      %add3A_17 = arith.addi %add3A, %mul3A_16 : i32
      %add3A_18 = arith.addi %mul3A_0, %add3A_17 : i32
      %add3A_19 = arith.addi %mul3A_0, %add3A_17 : i32
      %dma_start3A = arith.constant 0 : i32
      %dma_start3A_20 = arith.constant 0 : i32
      %dma_start3A_21 = tpu.memref_slice %arg3[%dma_start3A, %add3A_18, %dma_start3A_20] : memref<2x2560x128xi32, #tpu.memory_space<hbm>> -> memref<1x40x128xi32, #tpu.memory_space<hbm>>
      %dma_start3A_22 = tpu.memref_squeeze %dma_start3A_21 : memref<1x40x128xi32, #tpu.memory_space<hbm>> -> memref<40x128xi32, #tpu.memory_space<hbm>>
      %dma_start3A_23 = arith.constant 0 : i32
      %dma_start3A_24 = tpu.memref_slice %arg3[%dma_start3A, %add3A_18, %dma_start3A_23] : memref<2x2560x128xi32, #tpu.memory_space<hbm>> -> memref<1x40x128xi32, #tpu.memory_space<hbm>>
      %dma_start3A_25 = tpu.memref_squeeze %dma_start3A_24 : memref<1x40x128xi32, #tpu.memory_space<hbm>> -> memref<40x128xi32, #tpu.memory_space<hbm>>
      tpu.enqueue_dma source(%dma_start3A_25 : memref<40x128xi32, #tpu.memory_space<hbm>>) target(%arg5 : memref<40x128xi32, #tpu.memory_space<vmem>>) target_semaphore(%arg10 : memref<!tpu.dma_semaphore, #tpu.memory_space<semaphore_mem>>)
      %dma_start3A_26 = arith.constant 1 : i32
      %dma_start3A_27 = arith.constant 0 : i32
      %dma_start3A_28 = tpu.memref_slice %arg3[%dma_start3A_26, %add3A_19, %dma_start3A_27] : memref<2x2560x128xi32, #tpu.memory_space<hbm>> -> memref<1x40x128xi32, #tpu.memory_space<hbm>>
      %dma_start3A_29 = tpu.memref_squeeze %dma_start3A_28 : memref<1x40x128xi32, #tpu.memory_space<hbm>> -> memref<40x128xi32, #tpu.memory_space<hbm>>
      %dma_start3A_30 = arith.constant 0 : i32
      %dma_start3A_31 = tpu.memref_slice %arg3[%dma_start3A_26, %add3A_19, %dma_start3A_30] : memref<2x2560x128xi32, #tpu.memory_space<hbm>> -> memref<1x40x128xi32, #tpu.memory_space<hbm>>
      %dma_start3A_32 = tpu.memref_squeeze %dma_start3A_31 : memref<1x40x128xi32, #tpu.memory_space<hbm>> -> memref<40x128xi32, #tpu.memory_space<hbm>>
      tpu.enqueue_dma source(%dma_start3A_32 : memref<40x128xi32, #tpu.memory_space<hbm>>) target(%arg6 : memref<40x128xi32, #tpu.memory_space<vmem>>) target_semaphore(%arg11 : memref<!tpu.dma_semaphore, #tpu.memory_space<semaphore_mem>>)
      %dma_wait3A = arith.constant 0 : i32
      %dma_wait3A_33 = arith.constant 0 : i32
      %dma_wait3A_34 = tpu.memref_slice %arg3[%dma_wait3A, %add3A_18, %dma_wait3A_33] : memref<2x2560x128xi32, #tpu.memory_space<hbm>> -> memref<1x40x128xi32, #tpu.memory_space<hbm>>
      %dma_wait3A_35 = tpu.memref_squeeze %dma_wait3A_34 : memref<1x40x128xi32, #tpu.memory_space<hbm>> -> memref<40x128xi32, #tpu.memory_space<hbm>>
      %dma_wait3A_36 = arith.constant 0 : i32
      %dma_wait3A_37 = tpu.memref_slice %arg3[%dma_wait3A, %add3A_18, %dma_wait3A_36] : memref<2x2560x128xi32, #tpu.memory_space<hbm>> -> memref<1x40x128xi32, #tpu.memory_space<hbm>>
      %dma_wait3A_38 = tpu.memref_squeeze %dma_wait3A_37 : memref<1x40x128xi32, #tpu.memory_space<hbm>> -> memref<40x128xi32, #tpu.memory_space<hbm>>
      tpu.wait_dma2 semaphore(%arg10 : memref<!tpu.dma_semaphore, #tpu.memory_space<semaphore_mem>>) src(%dma_wait3A_38 : memref<40x128xi32, #tpu.memory_space<hbm>>) dst(%arg5 : memref<40x128xi32, #tpu.memory_space<vmem>>)
      %dma_wait3A_39 = arith.constant 1 : i32
      %dma_wait3A_40 = arith.constant 0 : i32
      %dma_wait3A_41 = tpu.memref_slice %arg3[%dma_wait3A_39, %add3A_19, %dma_wait3A_40] : memref<2x2560x128xi32, #tpu.memory_space<hbm>> -> memref<1x40x128xi32, #tpu.memory_space<hbm>>
      %dma_wait3A_42 = tpu.memref_squeeze %dma_wait3A_41 : memref<1x40x128xi32, #tpu.memory_space<hbm>> -> memref<40x128xi32, #tpu.memory_space<hbm>>
      %dma_wait3A_43 = arith.constant 0 : i32
      %dma_wait3A_44 = tpu.memref_slice %arg3[%dma_wait3A_39, %add3A_19, %dma_wait3A_43] : memref<2x2560x128xi32, #tpu.memory_space<hbm>> -> memref<1x40x128xi32, #tpu.memory_space<hbm>>
      %dma_wait3A_45 = tpu.memref_squeeze %dma_wait3A_44 : memref<1x40x128xi32, #tpu.memory_space<hbm>> -> memref<40x128xi32, #tpu.memory_space<hbm>>
      tpu.wait_dma2 semaphore(%arg11 : memref<!tpu.dma_semaphore, #tpu.memory_space<semaphore_mem>>) src(%dma_wait3A_45 : memref<40x128xi32, #tpu.memory_space<hbm>>) dst(%arg6 : memref<40x128xi32, #tpu.memory_space<vmem>>)
      %dma_start3A_46 = arith.constant 0 : i32
      %dma_start3A_47 = arith.constant 0 : i32
      %dma_start3A_48 = tpu.memref_slice %arg5[%dma_start3A_46, %dma_start3A_47] : memref<40x128xi32, #tpu.memory_space<vmem>> -> memref<1x128xi32, #tpu.memory_space<vmem>>
      %dma_start3A_49 = tpu.memref_squeeze %dma_start3A_48 : memref<1x128xi32, #tpu.memory_space<vmem>> -> memref<128xi32, #tpu.memory_space<vmem>>
      %dma_start3A_50 = arith.constant 0 : i32
      %dma_start3A_51 = arith.constant 0 : i32
      %dma_start3A_52 = tpu.memref_slice %arg2[%arg0, %dma_start3A_50, %dma_start3A_51] : memref<2x10240x128xf32, #tpu.memory_space<hbm>> -> memref<1x10240x128xf32, #tpu.memory_space<hbm>>
      %dma_start3A_53 = tpu.memref_squeeze %dma_start3A_52 : memref<1x10240x128xf32, #tpu.memory_space<hbm>> -> memref<10240x128xf32, #tpu.memory_space<hbm>>
      %dma_start3A_54 = arith.constant 0 : i32
      %dma_start3A_55 = arith.constant 0 : i32
      %dma_start3A_56 = tpu.memref_slice %dma_start3A_53[%dma_start3A_54, %dma_start3A_55] : memref<10240x128xf32, #tpu.memory_space<hbm>> -> memref<10240x128xf32, #tpu.memory_space<hbm>>
      tpu.enqueue_indirect_dma source(%dma_start3A_56 : memref<10240x128xf32, #tpu.memory_space<hbm>>) target(%arg7 : memref<128x128xf32, #tpu.memory_space<vmem>>) offsets(%dma_start3A_49 : memref<128xi32, #tpu.memory_space<vmem>>) semaphore(%arg10 : memref<!tpu.dma_semaphore, #tpu.memory_space<semaphore_mem>>)
      %scan3A_57 = arith.constant 0 : i32
      %scan3A_58 = arith.constant 20 : i32
      %scan3A_59 = arith.addi %scan3A_57, %scan3A_58 : i32
      %scan3A_60 = arith.constant 1 : i32
      scf.for %scan3A_69 = %scan3A_57 to %scan3A_59 step %scan3A_60  : i32 {
        %mul3A_70 = arith.constant 2 : i32
        %mul3A_71 = arith.muli %scan3A_69, %mul3A_70 : i32
        %add3A_72 = arith.constant 0 : i32
        %add3A_73 = arith.addi %add3A_72, %mul3A_71 : i32
        %gt3A = arith.constant 0 : i32
        %gt3A_74 = arith.cmpi sgt, %add3A_73, %gt3A : i32
        %convert_element_type3A = arith.extui %gt3A_74 : i1 to i32
        %cond3A = arith.constant 0 : i32
        %cond3A_75 = arith.cmpi ne, %convert_element_type3A, %cond3A : i32
        scf.if %cond3A_75 {
          %dma_wait3A_136 = arith.constant 0 : i32
          %dma_wait3A_137 = tpu.memref_slice %arg6[%add3A_73, %dma_wait3A_136] : memref<40x128xi32, #tpu.memory_space<vmem>> -> memref<1x128xi32, #tpu.memory_space<vmem>>
          %dma_wait3A_138 = tpu.memref_squeeze %dma_wait3A_137 : memref<1x128xi32, #tpu.memory_space<vmem>> -> memref<128xi32, #tpu.memory_space<vmem>>
          %dma_wait3A_139 = arith.constant 0 : i32
          %dma_wait3A_140 = arith.constant 0 : i32
          %dma_wait3A_141 = tpu.memref_slice %arg9[%dma_wait3A_139, %dma_wait3A_140] : memref<10240x128xf32, #tpu.memory_space<vmem_shared>> -> memref<10240x128xf32, #tpu.memory_space<vmem_shared>>
          tpu.wait_indirect_dma semaphore(%arg13 : memref<!tpu.dma_semaphore, #tpu.memory_space<semaphore_mem>>) src(%arg8 : memref<128x128xf32, #tpu.memory_space<vmem>>) dst(%dma_wait3A_141 : memref<10240x128xf32, #tpu.memory_space<vmem_shared>>)
        } else {
        }
        %add3A_76 = arith.constant 1 : i32
        %add3A_77 = arith.addi %add3A_73, %add3A_76 : i32
        %dma_start3A_78 = arith.constant 0 : i32
        %dma_start3A_79 = tpu.memref_slice %arg5[%add3A_77, %dma_start3A_78] : memref<40x128xi32, #tpu.memory_space<vmem>> -> memref<1x128xi32, #tpu.memory_space<vmem>>
        %dma_start3A_80 = tpu.memref_squeeze %dma_start3A_79 : memref<1x128xi32, #tpu.memory_space<vmem>> -> memref<128xi32, #tpu.memory_space<vmem>>
        %dma_start3A_81 = arith.constant 0 : i32
        %dma_start3A_82 = arith.constant 0 : i32
        %dma_start3A_83 = tpu.memref_slice %arg2[%arg0, %dma_start3A_81, %dma_start3A_82] : memref<2x10240x128xf32, #tpu.memory_space<hbm>> -> memref<1x10240x128xf32, #tpu.memory_space<hbm>>
        %dma_start3A_84 = tpu.memref_squeeze %dma_start3A_83 : memref<1x10240x128xf32, #tpu.memory_space<hbm>> -> memref<10240x128xf32, #tpu.memory_space<hbm>>
        %dma_start3A_85 = arith.constant 0 : i32
        %dma_start3A_86 = arith.constant 0 : i32
        %dma_start3A_87 = tpu.memref_slice %dma_start3A_84[%dma_start3A_85, %dma_start3A_86] : memref<10240x128xf32, #tpu.memory_space<hbm>> -> memref<10240x128xf32, #tpu.memory_space<hbm>>
        tpu.enqueue_indirect_dma source(%dma_start3A_87 : memref<10240x128xf32, #tpu.memory_space<hbm>>) target(%arg8 : memref<128x128xf32, #tpu.memory_space<vmem>>) offsets(%dma_start3A_80 : memref<128xi32, #tpu.memory_space<vmem>>) semaphore(%arg11 : memref<!tpu.dma_semaphore, #tpu.memory_space<semaphore_mem>>)
        %dma_wait3A_88 = arith.constant 0 : i32
        %dma_wait3A_89 = tpu.memref_slice %arg5[%add3A_73, %dma_wait3A_88] : memref<40x128xi32, #tpu.memory_space<vmem>> -> memref<1x128xi32, #tpu.memory_space<vmem>>
        %dma_wait3A_90 = tpu.memref_squeeze %dma_wait3A_89 : memref<1x128xi32, #tpu.memory_space<vmem>> -> memref<128xi32, #tpu.memory_space<vmem>>
        %dma_wait3A_91 = arith.constant 0 : i32
        %dma_wait3A_92 = arith.constant 0 : i32
        %dma_wait3A_93 = tpu.memref_slice %arg2[%arg0, %dma_wait3A_91, %dma_wait3A_92] : memref<2x10240x128xf32, #tpu.memory_space<hbm>> -> memref<1x10240x128xf32, #tpu.memory_space<hbm>>
        %dma_wait3A_94 = tpu.memref_squeeze %dma_wait3A_93 : memref<1x10240x128xf32, #tpu.memory_space<hbm>> -> memref<10240x128xf32, #tpu.memory_space<hbm>>
        %dma_wait3A_95 = arith.constant 0 : i32
        %dma_wait3A_96 = arith.constant 0 : i32
        %dma_wait3A_97 = tpu.memref_slice %dma_wait3A_94[%dma_wait3A_95, %dma_wait3A_96] : memref<10240x128xf32, #tpu.memory_space<hbm>> -> memref<10240x128xf32, #tpu.memory_space<hbm>>
        tpu.wait_indirect_dma semaphore(%arg10 : memref<!tpu.dma_semaphore, #tpu.memory_space<semaphore_mem>>) src(%dma_wait3A_97 : memref<10240x128xf32, #tpu.memory_space<hbm>>) dst(%arg7 : memref<128x128xf32, #tpu.memory_space<vmem>>)
        %dma_start3A_98 = arith.constant 0 : i32
        %dma_start3A_99 = tpu.memref_slice %arg6[%add3A_73, %dma_start3A_98] : memref<40x128xi32, #tpu.memory_space<vmem>> -> memref<1x128xi32, #tpu.memory_space<vmem>>
        %dma_start3A_100 = tpu.memref_squeeze %dma_start3A_99 : memref<1x128xi32, #tpu.memory_space<vmem>> -> memref<128xi32, #tpu.memory_space<vmem>>
        %dma_start3A_101 = arith.constant 0 : i32
        %dma_start3A_102 = arith.constant 0 : i32
        %dma_start3A_103 = tpu.memref_slice %arg9[%dma_start3A_101, %dma_start3A_102] : memref<10240x128xf32, #tpu.memory_space<vmem_shared>> -> memref<10240x128xf32, #tpu.memory_space<vmem_shared>>
        tpu.enqueue_indirect_dma source(%arg7 : memref<128x128xf32, #tpu.memory_space<vmem>>) target(%dma_start3A_103 : memref<10240x128xf32, #tpu.memory_space<vmem_shared>>) offsets(%dma_start3A_100 : memref<128xi32, #tpu.memory_space<vmem>>) semaphore(%arg12 : memref<!tpu.dma_semaphore, #tpu.memory_space<semaphore_mem>>) {add = true}
        %dma_wait3A_104 = arith.constant 0 : i32
        %dma_wait3A_105 = tpu.memref_slice %arg6[%add3A_73, %dma_wait3A_104] : memref<40x128xi32, #tpu.memory_space<vmem>> -> memref<1x128xi32, #tpu.memory_space<vmem>>
        %dma_wait3A_106 = tpu.memref_squeeze %dma_wait3A_105 : memref<1x128xi32, #tpu.memory_space<vmem>> -> memref<128xi32, #tpu.memory_space<vmem>>
        %dma_wait3A_107 = arith.constant 0 : i32
        %dma_wait3A_108 = arith.constant 0 : i32
        %dma_wait3A_109 = tpu.memref_slice %arg9[%dma_wait3A_107, %dma_wait3A_108] : memref<10240x128xf32, #tpu.memory_space<vmem_shared>> -> memref<10240x128xf32, #tpu.memory_space<vmem_shared>>
        tpu.wait_indirect_dma semaphore(%arg12 : memref<!tpu.dma_semaphore, #tpu.memory_space<semaphore_mem>>) src(%arg7 : memref<128x128xf32, #tpu.memory_space<vmem>>) dst(%dma_wait3A_109 : memref<10240x128xf32, #tpu.memory_space<vmem_shared>>)
        %add3A_110 = arith.constant 2 : i32
        %add3A_111 = arith.addi %add3A_73, %add3A_110 : i32
        %lt3A = arith.constant 40 : i32
        %lt3A_112 = arith.cmpi slt, %add3A_111, %lt3A : i32
        %convert_element_type3A_113 = arith.extui %lt3A_112 : i1 to i32
        %cond3A_114 = arith.constant 0 : i32
        %cond3A_115 = arith.cmpi ne, %convert_element_type3A_113, %cond3A_114 : i32
        scf.if %cond3A_115 {
          %add3A_136 = arith.constant 2 : i32
          %add3A_137 = arith.addi %add3A_73, %add3A_136 : i32
          %dma_start3A_138 = arith.constant 0 : i32
          %dma_start3A_139 = tpu.memref_slice %arg5[%add3A_137, %dma_start3A_138] : memref<40x128xi32, #tpu.memory_space<vmem>> -> memref<1x128xi32, #tpu.memory_space<vmem>>
          %dma_start3A_140 = tpu.memref_squeeze %dma_start3A_139 : memref<1x128xi32, #tpu.memory_space<vmem>> -> memref<128xi32, #tpu.memory_space<vmem>>
          %dma_start3A_141 = arith.constant 0 : i32
          %dma_start3A_142 = arith.constant 0 : i32
          %dma_start3A_143 = tpu.memref_slice %arg2[%arg0, %dma_start3A_141, %dma_start3A_142] : memref<2x10240x128xf32, #tpu.memory_space<hbm>> -> memref<1x10240x128xf32, #tpu.memory_space<hbm>>
          %dma_start3A_144 = tpu.memref_squeeze %dma_start3A_143 : memref<1x10240x128xf32, #tpu.memory_space<hbm>> -> memref<10240x128xf32, #tpu.memory_space<hbm>>
          %dma_start3A_145 = arith.constant 0 : i32
          %dma_start3A_146 = arith.constant 0 : i32
          %dma_start3A_147 = tpu.memref_slice %dma_start3A_144[%dma_start3A_145, %dma_start3A_146] : memref<10240x128xf32, #tpu.memory_space<hbm>> -> memref<10240x128xf32, #tpu.memory_space<hbm>>
          tpu.enqueue_indirect_dma source(%dma_start3A_147 : memref<10240x128xf32, #tpu.memory_space<hbm>>) target(%arg7 : memref<128x128xf32, #tpu.memory_space<vmem>>) offsets(%dma_start3A_140 : memref<128xi32, #tpu.memory_space<vmem>>) semaphore(%arg10 : memref<!tpu.dma_semaphore, #tpu.memory_space<semaphore_mem>>)
        } else {
        }
        %add3A_116 = arith.constant 1 : i32
        %add3A_117 = arith.addi %add3A_73, %add3A_116 : i32
        %dma_wait3A_118 = arith.constant 0 : i32
        %dma_wait3A_119 = tpu.memref_slice %arg5[%add3A_117, %dma_wait3A_118] : memref<40x128xi32, #tpu.memory_space<vmem>> -> memref<1x128xi32, #tpu.memory_space<vmem>>
        %dma_wait3A_120 = tpu.memref_squeeze %dma_wait3A_119 : memref<1x128xi32, #tpu.memory_space<vmem>> -> memref<128xi32, #tpu.memory_space<vmem>>
        %dma_wait3A_121 = arith.constant 0 : i32
        %dma_wait3A_122 = arith.constant 0 : i32
        %dma_wait3A_123 = tpu.memref_slice %arg2[%arg0, %dma_wait3A_121, %dma_wait3A_122] : memref<2x10240x128xf32, #tpu.memory_space<hbm>> -> memref<1x10240x128xf32, #tpu.memory_space<hbm>>
        %dma_wait3A_124 = tpu.memref_squeeze %dma_wait3A_123 : memref<1x10240x128xf32, #tpu.memory_space<hbm>> -> memref<10240x128xf32, #tpu.memory_space<hbm>>
        %dma_wait3A_125 = arith.constant 0 : i32
        %dma_wait3A_126 = arith.constant 0 : i32
        %dma_wait3A_127 = tpu.memref_slice %dma_wait3A_124[%dma_wait3A_125, %dma_wait3A_126] : memref<10240x128xf32, #tpu.memory_space<hbm>> -> memref<10240x128xf32, #tpu.memory_space<hbm>>
        tpu.wait_indirect_dma semaphore(%arg11 : memref<!tpu.dma_semaphore, #tpu.memory_space<semaphore_mem>>) src(%dma_wait3A_127 : memref<10240x128xf32, #tpu.memory_space<hbm>>) dst(%arg8 : memref<128x128xf32, #tpu.memory_space<vmem>>)
        %add3A_128 = arith.constant 1 : i32
        %add3A_129 = arith.addi %add3A_73, %add3A_128 : i32
        %dma_start3A_130 = arith.constant 0 : i32
        %dma_start3A_131 = tpu.memref_slice %arg6[%add3A_129, %dma_start3A_130] : memref<40x128xi32, #tpu.memory_space<vmem>> -> memref<1x128xi32, #tpu.memory_space<vmem>>
        %dma_start3A_132 = tpu.memref_squeeze %dma_start3A_131 : memref<1x128xi32, #tpu.memory_space<vmem>> -> memref<128xi32, #tpu.memory_space<vmem>>
        %dma_start3A_133 = arith.constant 0 : i32
        %dma_start3A_134 = arith.constant 0 : i32
        %dma_start3A_135 = tpu.memref_slice %arg9[%dma_start3A_133, %dma_start3A_134] : memref<10240x128xf32, #tpu.memory_space<vmem_shared>> -> memref<10240x128xf32, #tpu.memory_space<vmem_shared>>
        tpu.enqueue_indirect_dma source(%arg8 : memref<128x128xf32, #tpu.memory_space<vmem>>) target(%dma_start3A_135 : memref<10240x128xf32, #tpu.memory_space<vmem_shared>>) offsets(%dma_start3A_132 : memref<128xi32, #tpu.memory_space<vmem>>) semaphore(%arg13 : memref<!tpu.dma_semaphore, #tpu.memory_space<semaphore_mem>>) {add = true}
      }
      %scan3A_61 = arith.constant 20 : i32
      %dma_wait3A_62 = arith.constant 0 : i32
      %dma_wait3A_63 = arith.constant 0 : i32
      %dma_wait3A_64 = tpu.memref_slice %arg6[%dma_wait3A_62, %dma_wait3A_63] : memref<40x128xi32, #tpu.memory_space<vmem>> -> memref<1x128xi32, #tpu.memory_space<vmem>>
      %dma_wait3A_65 = tpu.memref_squeeze %dma_wait3A_64 : memref<1x128xi32, #tpu.memory_space<vmem>> -> memref<128xi32, #tpu.memory_space<vmem>>
      %dma_wait3A_66 = arith.constant 0 : i32
      %dma_wait3A_67 = arith.constant 0 : i32
      %dma_wait3A_68 = tpu.memref_slice %arg9[%dma_wait3A_66, %dma_wait3A_67] : memref<10240x128xf32, #tpu.memory_space<vmem_shared>> -> memref<10240x128xf32, #tpu.memory_space<vmem_shared>>
      tpu.wait_indirect_dma semaphore(%arg13 : memref<!tpu.dma_semaphore, #tpu.memory_space<semaphore_mem>>) src(%arg8 : memref<128x128xf32, #tpu.memory_space<vmem>>) dst(%dma_wait3A_68 : memref<10240x128xf32, #tpu.memory_space<vmem_shared>>)
    }
    %scan3A_8 = arith.constant 4 : i32
    %barrier3A_9 = arith.constant 0 : index
    tpu.barrier barrier_id(%barrier3A_9)
    %mul3A_10 = arith.constant 640 : i32
    %mul3A_11 = arith.muli %arg1, %mul3A_10 : i32
    %mul3A_12 = arith.constant 640 : i32
    %mul3A_13 = arith.muli %arg1, %mul3A_12 : i32
    "tpu.region"() ({
      %run_scoped3A = tpu.sem_alloc : memref<!tpu.dma_semaphore, #tpu.memory_space<semaphore_mem>>
      %dma_start3A = arith.constant 0 : i32
      %dma_start3A_14 = tpu.memref_slice %arg4[%arg0, %mul3A_13, %dma_start3A] : memref<2x10240x128xf32, #tpu.memory_space<hbm>> -> memref<1x640x128xf32, #tpu.memory_space<hbm>>
      %dma_start3A_15 = tpu.memref_squeeze %dma_start3A_14 : memref<1x640x128xf32, #tpu.memory_space<hbm>> -> memref<640x128xf32, #tpu.memory_space<hbm>>
      %dma_start3A_16 = arith.constant 0 : i32
      %dma_start3A_17 = tpu.memref_slice %arg9[%mul3A_11, %dma_start3A_16] : memref<10240x128xf32, #tpu.memory_space<vmem_shared>> -> memref<640x128xf32, #tpu.memory_space<vmem_shared>>
      tpu.enqueue_dma source(%dma_start3A_17 : memref<640x128xf32, #tpu.memory_space<vmem_shared>>) target(%dma_start3A_15 : memref<640x128xf32, #tpu.memory_space<hbm>>) target_semaphore(%run_scoped3A : memref<!tpu.dma_semaphore, #tpu.memory_space<semaphore_mem>>)
      %dma_wait3A = arith.constant 0 : i32
      %dma_wait3A_18 = tpu.memref_slice %arg4[%arg0, %mul3A_13, %dma_wait3A] : memref<2x10240x128xf32, #tpu.memory_space<hbm>> -> memref<1x640x128xf32, #tpu.memory_space<hbm>>
      %dma_wait3A_19 = tpu.memref_squeeze %dma_wait3A_18 : memref<1x640x128xf32, #tpu.memory_space<hbm>> -> memref<640x128xf32, #tpu.memory_space<hbm>>
      %dma_wait3A_20 = arith.constant 0 : i32
      %dma_wait3A_21 = tpu.memref_slice %arg9[%mul3A_11, %dma_wait3A_20] : memref<10240x128xf32, #tpu.memory_space<vmem_shared>> -> memref<640x128xf32, #tpu.memory_space<vmem_shared>>
      tpu.wait_dma2 semaphore(%run_scoped3A : memref<!tpu.dma_semaphore, #tpu.memory_space<semaphore_mem>>) src(%dma_wait3A_21 : memref<640x128xf32, #tpu.memory_space<vmem_shared>>) dst(%dma_wait3A_19 : memref<640x128xf32, #tpu.memory_space<hbm>>)
      tpu.yield
    }) : () -> ()
    return
  }
}

#map = affine_map<(d0, d1) -> (0, 0)>
#map1 = affine_map<(d0, d1) -> (0, 0, 0)>
module attributes {stable_mosaic.version = 14 : i64} {
  func.func @_prop(%arg0: i32, %arg1: i32, %arg2: memref<10240x128xf32, #tpu.memory_space<hbm>>, %arg3: memref<2x2560x128xi32, #tpu.memory_space<hbm>>, %arg4: memref<2x10240x128xf32, #tpu.memory_space<hbm>>, %arg5: memref<40x128xi32, #tpu.memory_space<vmem>>, %arg6: memref<40x128xi32, #tpu.memory_space<vmem>>, %arg7: memref<128x128xf32, #tpu.memory_space<vmem>>, %arg8: memref<128x128xf32, #tpu.memory_space<vmem>>, %arg9: memref<10240x128xf32, #tpu.memory_space<vmem_shared>>, %arg10: memref<!tpu.dma_semaphore, #tpu.memory_space<semaphore_mem>>, %arg11: memref<!tpu.dma_semaphore, #tpu.memory_space<semaphore_mem>>, %arg12: memref<!tpu.dma_semaphore, #tpu.memory_space<semaphore_mem>>, %arg13: memref<!tpu.dma_semaphore, #tpu.memory_space<semaphore_mem>>) attributes {dimension_semantics = [#tpu.dimension_semantics<core_parallel>, #tpu.dimension_semantics<subcore_parallel>], iteration_bounds = array<i64: 2, 16>, scalar_prefetch = 0 : i64, scratch_operands = 9 : i64, tpu.core_type = #tpu.core_type<sc_vector_subcore>, window_params = [{transform_indices = #map}, {transform_indices = #map1}, {transform_indices = #map1}]} {
    %mul3A = arith.constant 1280 : i32
    %mul3A_0 = arith.muli %arg0, %mul3A : i32
    %mul3A_1 = arith.constant 80 : i32
    %mul3A_2 = arith.muli %arg1, %mul3A_1 : i32
    %add3A = arith.addi %mul3A_0, %mul3A_2 : i32
    %mul3A_3 = arith.constant 640 : i32
    %mul3A_4 = arith.muli %arg1, %mul3A_3 : i32
    %mul3A_5 = arith.constant 640 : i32
    %mul3A_6 = arith.muli %arg1, %mul3A_5 : i32
    "tpu.region"() ({
      %run_scoped3A = tpu.sem_alloc : memref<!tpu.dma_semaphore, #tpu.memory_space<semaphore_mem>>
      %dma_start3A = arith.constant 0 : i32
      %dma_start3A_16 = tpu.memref_slice %arg9[%mul3A_6, %dma_start3A] : memref<10240x128xf32, #tpu.memory_space<vmem_shared>> -> memref<640x128xf32, #tpu.memory_space<vmem_shared>>
      %dma_start3A_17 = arith.constant 0 : i32
      %dma_start3A_18 = tpu.memref_slice %arg2[%mul3A_4, %dma_start3A_17] : memref<10240x128xf32, #tpu.memory_space<hbm>> -> memref<640x128xf32, #tpu.memory_space<hbm>>
      tpu.enqueue_dma source(%dma_start3A_18 : memref<640x128xf32, #tpu.memory_space<hbm>>) target(%dma_start3A_16 : memref<640x128xf32, #tpu.memory_space<vmem_shared>>) target_semaphore(%run_scoped3A : memref<!tpu.dma_semaphore, #tpu.memory_space<semaphore_mem>>)
      %dma_wait3A = arith.constant 0 : i32
      %dma_wait3A_19 = tpu.memref_slice %arg9[%mul3A_6, %dma_wait3A] : memref<10240x128xf32, #tpu.memory_space<vmem_shared>> -> memref<640x128xf32, #tpu.memory_space<vmem_shared>>
      %dma_wait3A_20 = arith.constant 0 : i32
      %dma_wait3A_21 = tpu.memref_slice %arg2[%mul3A_4, %dma_wait3A_20] : memref<10240x128xf32, #tpu.memory_space<hbm>> -> memref<640x128xf32, #tpu.memory_space<hbm>>
      tpu.wait_dma2 semaphore(%run_scoped3A : memref<!tpu.dma_semaphore, #tpu.memory_space<semaphore_mem>>) src(%dma_wait3A_21 : memref<640x128xf32, #tpu.memory_space<hbm>>) dst(%dma_wait3A_19 : memref<640x128xf32, #tpu.memory_space<vmem_shared>>)
      tpu.yield
    }) : () -> ()
    %barrier3A = arith.constant 0 : index
    tpu.barrier barrier_id(%barrier3A)
    %scan3A = arith.constant 0 : i32
    %scan3A_7 = arith.constant 2 : i32
    %scan3A_8 = arith.addi %scan3A, %scan3A_7 : i32
    %scan3A_9 = arith.constant 1 : i32
    scf.for %scan3A_16 = %scan3A to %scan3A_8 step %scan3A_9  : i32 {
      %mul3A_17 = arith.constant 40 : i32
      %mul3A_18 = arith.muli %scan3A_16, %mul3A_17 : i32
      %add3A_19 = arith.constant 0 : i32
      %add3A_20 = arith.addi %add3A_19, %mul3A_18 : i32
      %add3A_21 = arith.addi %add3A, %add3A_20 : i32
      %add3A_22 = arith.addi %add3A, %add3A_20 : i32
      %dma_start3A = arith.constant 0 : i32
      %dma_start3A_23 = arith.constant 0 : i32
      %dma_start3A_24 = tpu.memref_slice %arg3[%dma_start3A, %add3A_21, %dma_start3A_23] : memref<2x2560x128xi32, #tpu.memory_space<hbm>> -> memref<1x40x128xi32, #tpu.memory_space<hbm>>
      %dma_start3A_25 = tpu.memref_squeeze %dma_start3A_24 : memref<1x40x128xi32, #tpu.memory_space<hbm>> -> memref<40x128xi32, #tpu.memory_space<hbm>>
      %dma_start3A_26 = arith.constant 0 : i32
      %dma_start3A_27 = tpu.memref_slice %arg3[%dma_start3A, %add3A_21, %dma_start3A_26] : memref<2x2560x128xi32, #tpu.memory_space<hbm>> -> memref<1x40x128xi32, #tpu.memory_space<hbm>>
      %dma_start3A_28 = tpu.memref_squeeze %dma_start3A_27 : memref<1x40x128xi32, #tpu.memory_space<hbm>> -> memref<40x128xi32, #tpu.memory_space<hbm>>
      tpu.enqueue_dma source(%dma_start3A_28 : memref<40x128xi32, #tpu.memory_space<hbm>>) target(%arg5 : memref<40x128xi32, #tpu.memory_space<vmem>>) target_semaphore(%arg10 : memref<!tpu.dma_semaphore, #tpu.memory_space<semaphore_mem>>)
      %dma_start3A_29 = arith.constant 1 : i32
      %dma_start3A_30 = arith.constant 0 : i32
      %dma_start3A_31 = tpu.memref_slice %arg3[%dma_start3A_29, %add3A_22, %dma_start3A_30] : memref<2x2560x128xi32, #tpu.memory_space<hbm>> -> memref<1x40x128xi32, #tpu.memory_space<hbm>>
      %dma_start3A_32 = tpu.memref_squeeze %dma_start3A_31 : memref<1x40x128xi32, #tpu.memory_space<hbm>> -> memref<40x128xi32, #tpu.memory_space<hbm>>
      %dma_start3A_33 = arith.constant 0 : i32
      %dma_start3A_34 = tpu.memref_slice %arg3[%dma_start3A_29, %add3A_22, %dma_start3A_33] : memref<2x2560x128xi32, #tpu.memory_space<hbm>> -> memref<1x40x128xi32, #tpu.memory_space<hbm>>
      %dma_start3A_35 = tpu.memref_squeeze %dma_start3A_34 : memref<1x40x128xi32, #tpu.memory_space<hbm>> -> memref<40x128xi32, #tpu.memory_space<hbm>>
      tpu.enqueue_dma source(%dma_start3A_35 : memref<40x128xi32, #tpu.memory_space<hbm>>) target(%arg6 : memref<40x128xi32, #tpu.memory_space<vmem>>) target_semaphore(%arg11 : memref<!tpu.dma_semaphore, #tpu.memory_space<semaphore_mem>>)
      %dma_wait3A = arith.constant 0 : i32
      %dma_wait3A_36 = arith.constant 0 : i32
      %dma_wait3A_37 = tpu.memref_slice %arg3[%dma_wait3A, %add3A_21, %dma_wait3A_36] : memref<2x2560x128xi32, #tpu.memory_space<hbm>> -> memref<1x40x128xi32, #tpu.memory_space<hbm>>
      %dma_wait3A_38 = tpu.memref_squeeze %dma_wait3A_37 : memref<1x40x128xi32, #tpu.memory_space<hbm>> -> memref<40x128xi32, #tpu.memory_space<hbm>>
      %dma_wait3A_39 = arith.constant 0 : i32
      %dma_wait3A_40 = tpu.memref_slice %arg3[%dma_wait3A, %add3A_21, %dma_wait3A_39] : memref<2x2560x128xi32, #tpu.memory_space<hbm>> -> memref<1x40x128xi32, #tpu.memory_space<hbm>>
      %dma_wait3A_41 = tpu.memref_squeeze %dma_wait3A_40 : memref<1x40x128xi32, #tpu.memory_space<hbm>> -> memref<40x128xi32, #tpu.memory_space<hbm>>
      tpu.wait_dma2 semaphore(%arg10 : memref<!tpu.dma_semaphore, #tpu.memory_space<semaphore_mem>>) src(%dma_wait3A_41 : memref<40x128xi32, #tpu.memory_space<hbm>>) dst(%arg5 : memref<40x128xi32, #tpu.memory_space<vmem>>)
      %dma_wait3A_42 = arith.constant 1 : i32
      %dma_wait3A_43 = arith.constant 0 : i32
      %dma_wait3A_44 = tpu.memref_slice %arg3[%dma_wait3A_42, %add3A_22, %dma_wait3A_43] : memref<2x2560x128xi32, #tpu.memory_space<hbm>> -> memref<1x40x128xi32, #tpu.memory_space<hbm>>
      %dma_wait3A_45 = tpu.memref_squeeze %dma_wait3A_44 : memref<1x40x128xi32, #tpu.memory_space<hbm>> -> memref<40x128xi32, #tpu.memory_space<hbm>>
      %dma_wait3A_46 = arith.constant 0 : i32
      %dma_wait3A_47 = tpu.memref_slice %arg3[%dma_wait3A_42, %add3A_22, %dma_wait3A_46] : memref<2x2560x128xi32, #tpu.memory_space<hbm>> -> memref<1x40x128xi32, #tpu.memory_space<hbm>>
      %dma_wait3A_48 = tpu.memref_squeeze %dma_wait3A_47 : memref<1x40x128xi32, #tpu.memory_space<hbm>> -> memref<40x128xi32, #tpu.memory_space<hbm>>
      tpu.wait_dma2 semaphore(%arg11 : memref<!tpu.dma_semaphore, #tpu.memory_space<semaphore_mem>>) src(%dma_wait3A_48 : memref<40x128xi32, #tpu.memory_space<hbm>>) dst(%arg6 : memref<40x128xi32, #tpu.memory_space<vmem>>)
      %dma_start3A_49 = arith.constant 0 : i32
      %dma_start3A_50 = arith.constant 0 : i32
      %dma_start3A_51 = tpu.memref_slice %arg5[%dma_start3A_49, %dma_start3A_50] : memref<40x128xi32, #tpu.memory_space<vmem>> -> memref<1x128xi32, #tpu.memory_space<vmem>>
      %dma_start3A_52 = tpu.memref_squeeze %dma_start3A_51 : memref<1x128xi32, #tpu.memory_space<vmem>> -> memref<128xi32, #tpu.memory_space<vmem>>
      %dma_start3A_53 = arith.constant 0 : i32
      %dma_start3A_54 = arith.constant 0 : i32
      %dma_start3A_55 = tpu.memref_slice %arg2[%dma_start3A_53, %dma_start3A_54] : memref<10240x128xf32, #tpu.memory_space<hbm>> -> memref<10240x128xf32, #tpu.memory_space<hbm>>
      tpu.enqueue_indirect_dma source(%dma_start3A_55 : memref<10240x128xf32, #tpu.memory_space<hbm>>) target(%arg7 : memref<128x128xf32, #tpu.memory_space<vmem>>) offsets(%dma_start3A_52 : memref<128xi32, #tpu.memory_space<vmem>>) semaphore(%arg10 : memref<!tpu.dma_semaphore, #tpu.memory_space<semaphore_mem>>)
      %scan3A_56 = arith.constant 0 : i32
      %scan3A_57 = arith.constant 20 : i32
      %scan3A_58 = arith.addi %scan3A_56, %scan3A_57 : i32
      %scan3A_59 = arith.constant 1 : i32
      scf.for %scan3A_68 = %scan3A_56 to %scan3A_58 step %scan3A_59  : i32 {
        %mul3A_69 = arith.constant 2 : i32
        %mul3A_70 = arith.muli %scan3A_68, %mul3A_69 : i32
        %add3A_71 = arith.constant 0 : i32
        %add3A_72 = arith.addi %add3A_71, %mul3A_70 : i32
        %gt3A = arith.constant 0 : i32
        %gt3A_73 = arith.cmpi sgt, %add3A_72, %gt3A : i32
        %convert_element_type3A = arith.extui %gt3A_73 : i1 to i32
        %cond3A = arith.constant 0 : i32
        %cond3A_74 = arith.cmpi ne, %convert_element_type3A, %cond3A : i32
        scf.if %cond3A_74 {
          %dma_wait3A_123 = arith.constant 0 : i32
          %dma_wait3A_124 = tpu.memref_slice %arg6[%add3A_72, %dma_wait3A_123] : memref<40x128xi32, #tpu.memory_space<vmem>> -> memref<1x128xi32, #tpu.memory_space<vmem>>
          %dma_wait3A_125 = tpu.memref_squeeze %dma_wait3A_124 : memref<1x128xi32, #tpu.memory_space<vmem>> -> memref<128xi32, #tpu.memory_space<vmem>>
          %dma_wait3A_126 = arith.constant 0 : i32
          %dma_wait3A_127 = arith.constant 0 : i32
          %dma_wait3A_128 = tpu.memref_slice %arg9[%dma_wait3A_126, %dma_wait3A_127] : memref<10240x128xf32, #tpu.memory_space<vmem_shared>> -> memref<10240x128xf32, #tpu.memory_space<vmem_shared>>
          tpu.wait_indirect_dma semaphore(%arg13 : memref<!tpu.dma_semaphore, #tpu.memory_space<semaphore_mem>>) src(%arg8 : memref<128x128xf32, #tpu.memory_space<vmem>>) dst(%dma_wait3A_128 : memref<10240x128xf32, #tpu.memory_space<vmem_shared>>)
        } else {
        }
        %add3A_75 = arith.constant 1 : i32
        %add3A_76 = arith.addi %add3A_72, %add3A_75 : i32
        %dma_start3A_77 = arith.constant 0 : i32
        %dma_start3A_78 = tpu.memref_slice %arg5[%add3A_76, %dma_start3A_77] : memref<40x128xi32, #tpu.memory_space<vmem>> -> memref<1x128xi32, #tpu.memory_space<vmem>>
        %dma_start3A_79 = tpu.memref_squeeze %dma_start3A_78 : memref<1x128xi32, #tpu.memory_space<vmem>> -> memref<128xi32, #tpu.memory_space<vmem>>
        %dma_start3A_80 = arith.constant 0 : i32
        %dma_start3A_81 = arith.constant 0 : i32
        %dma_start3A_82 = tpu.memref_slice %arg2[%dma_start3A_80, %dma_start3A_81] : memref<10240x128xf32, #tpu.memory_space<hbm>> -> memref<10240x128xf32, #tpu.memory_space<hbm>>
        tpu.enqueue_indirect_dma source(%dma_start3A_82 : memref<10240x128xf32, #tpu.memory_space<hbm>>) target(%arg8 : memref<128x128xf32, #tpu.memory_space<vmem>>) offsets(%dma_start3A_79 : memref<128xi32, #tpu.memory_space<vmem>>) semaphore(%arg11 : memref<!tpu.dma_semaphore, #tpu.memory_space<semaphore_mem>>)
        %dma_wait3A_83 = arith.constant 0 : i32
        %dma_wait3A_84 = tpu.memref_slice %arg5[%add3A_72, %dma_wait3A_83] : memref<40x128xi32, #tpu.memory_space<vmem>> -> memref<1x128xi32, #tpu.memory_space<vmem>>
        %dma_wait3A_85 = tpu.memref_squeeze %dma_wait3A_84 : memref<1x128xi32, #tpu.memory_space<vmem>> -> memref<128xi32, #tpu.memory_space<vmem>>
        %dma_wait3A_86 = arith.constant 0 : i32
        %dma_wait3A_87 = arith.constant 0 : i32
        %dma_wait3A_88 = tpu.memref_slice %arg2[%dma_wait3A_86, %dma_wait3A_87] : memref<10240x128xf32, #tpu.memory_space<hbm>> -> memref<10240x128xf32, #tpu.memory_space<hbm>>
        tpu.wait_indirect_dma semaphore(%arg10 : memref<!tpu.dma_semaphore, #tpu.memory_space<semaphore_mem>>) src(%dma_wait3A_88 : memref<10240x128xf32, #tpu.memory_space<hbm>>) dst(%arg7 : memref<128x128xf32, #tpu.memory_space<vmem>>)
        %dma_start3A_89 = arith.constant 0 : i32
        %dma_start3A_90 = tpu.memref_slice %arg6[%add3A_72, %dma_start3A_89] : memref<40x128xi32, #tpu.memory_space<vmem>> -> memref<1x128xi32, #tpu.memory_space<vmem>>
        %dma_start3A_91 = tpu.memref_squeeze %dma_start3A_90 : memref<1x128xi32, #tpu.memory_space<vmem>> -> memref<128xi32, #tpu.memory_space<vmem>>
        %dma_start3A_92 = arith.constant 0 : i32
        %dma_start3A_93 = arith.constant 0 : i32
        %dma_start3A_94 = tpu.memref_slice %arg9[%dma_start3A_92, %dma_start3A_93] : memref<10240x128xf32, #tpu.memory_space<vmem_shared>> -> memref<10240x128xf32, #tpu.memory_space<vmem_shared>>
        tpu.enqueue_indirect_dma source(%arg7 : memref<128x128xf32, #tpu.memory_space<vmem>>) target(%dma_start3A_94 : memref<10240x128xf32, #tpu.memory_space<vmem_shared>>) offsets(%dma_start3A_91 : memref<128xi32, #tpu.memory_space<vmem>>) semaphore(%arg12 : memref<!tpu.dma_semaphore, #tpu.memory_space<semaphore_mem>>) {add = true}
        %dma_wait3A_95 = arith.constant 0 : i32
        %dma_wait3A_96 = tpu.memref_slice %arg6[%add3A_72, %dma_wait3A_95] : memref<40x128xi32, #tpu.memory_space<vmem>> -> memref<1x128xi32, #tpu.memory_space<vmem>>
        %dma_wait3A_97 = tpu.memref_squeeze %dma_wait3A_96 : memref<1x128xi32, #tpu.memory_space<vmem>> -> memref<128xi32, #tpu.memory_space<vmem>>
        %dma_wait3A_98 = arith.constant 0 : i32
        %dma_wait3A_99 = arith.constant 0 : i32
        %dma_wait3A_100 = tpu.memref_slice %arg9[%dma_wait3A_98, %dma_wait3A_99] : memref<10240x128xf32, #tpu.memory_space<vmem_shared>> -> memref<10240x128xf32, #tpu.memory_space<vmem_shared>>
        tpu.wait_indirect_dma semaphore(%arg12 : memref<!tpu.dma_semaphore, #tpu.memory_space<semaphore_mem>>) src(%arg7 : memref<128x128xf32, #tpu.memory_space<vmem>>) dst(%dma_wait3A_100 : memref<10240x128xf32, #tpu.memory_space<vmem_shared>>)
        %add3A_101 = arith.constant 2 : i32
        %add3A_102 = arith.addi %add3A_72, %add3A_101 : i32
        %lt3A = arith.constant 40 : i32
        %lt3A_103 = arith.cmpi slt, %add3A_102, %lt3A : i32
        %convert_element_type3A_104 = arith.extui %lt3A_103 : i1 to i32
        %cond3A_105 = arith.constant 0 : i32
        %cond3A_106 = arith.cmpi ne, %convert_element_type3A_104, %cond3A_105 : i32
        scf.if %cond3A_106 {
          %add3A_123 = arith.constant 2 : i32
          %add3A_124 = arith.addi %add3A_72, %add3A_123 : i32
          %dma_start3A_125 = arith.constant 0 : i32
          %dma_start3A_126 = tpu.memref_slice %arg5[%add3A_124, %dma_start3A_125] : memref<40x128xi32, #tpu.memory_space<vmem>> -> memref<1x128xi32, #tpu.memory_space<vmem>>
          %dma_start3A_127 = tpu.memref_squeeze %dma_start3A_126 : memref<1x128xi32, #tpu.memory_space<vmem>> -> memref<128xi32, #tpu.memory_space<vmem>>
          %dma_start3A_128 = arith.constant 0 : i32
          %dma_start3A_129 = arith.constant 0 : i32
          %dma_start3A_130 = tpu.memref_slice %arg2[%dma_start3A_128, %dma_start3A_129] : memref<10240x128xf32, #tpu.memory_space<hbm>> -> memref<10240x128xf32, #tpu.memory_space<hbm>>
          tpu.enqueue_indirect_dma source(%dma_start3A_130 : memref<10240x128xf32, #tpu.memory_space<hbm>>) target(%arg7 : memref<128x128xf32, #tpu.memory_space<vmem>>) offsets(%dma_start3A_127 : memref<128xi32, #tpu.memory_space<vmem>>) semaphore(%arg10 : memref<!tpu.dma_semaphore, #tpu.memory_space<semaphore_mem>>)
        } else {
        }
        %add3A_107 = arith.constant 1 : i32
        %add3A_108 = arith.addi %add3A_72, %add3A_107 : i32
        %dma_wait3A_109 = arith.constant 0 : i32
        %dma_wait3A_110 = tpu.memref_slice %arg5[%add3A_108, %dma_wait3A_109] : memref<40x128xi32, #tpu.memory_space<vmem>> -> memref<1x128xi32, #tpu.memory_space<vmem>>
        %dma_wait3A_111 = tpu.memref_squeeze %dma_wait3A_110 : memref<1x128xi32, #tpu.memory_space<vmem>> -> memref<128xi32, #tpu.memory_space<vmem>>
        %dma_wait3A_112 = arith.constant 0 : i32
        %dma_wait3A_113 = arith.constant 0 : i32
        %dma_wait3A_114 = tpu.memref_slice %arg2[%dma_wait3A_112, %dma_wait3A_113] : memref<10240x128xf32, #tpu.memory_space<hbm>> -> memref<10240x128xf32, #tpu.memory_space<hbm>>
        tpu.wait_indirect_dma semaphore(%arg11 : memref<!tpu.dma_semaphore, #tpu.memory_space<semaphore_mem>>) src(%dma_wait3A_114 : memref<10240x128xf32, #tpu.memory_space<hbm>>) dst(%arg8 : memref<128x128xf32, #tpu.memory_space<vmem>>)
        %add3A_115 = arith.constant 1 : i32
        %add3A_116 = arith.addi %add3A_72, %add3A_115 : i32
        %dma_start3A_117 = arith.constant 0 : i32
        %dma_start3A_118 = tpu.memref_slice %arg6[%add3A_116, %dma_start3A_117] : memref<40x128xi32, #tpu.memory_space<vmem>> -> memref<1x128xi32, #tpu.memory_space<vmem>>
        %dma_start3A_119 = tpu.memref_squeeze %dma_start3A_118 : memref<1x128xi32, #tpu.memory_space<vmem>> -> memref<128xi32, #tpu.memory_space<vmem>>
        %dma_start3A_120 = arith.constant 0 : i32
        %dma_start3A_121 = arith.constant 0 : i32
        %dma_start3A_122 = tpu.memref_slice %arg9[%dma_start3A_120, %dma_start3A_121] : memref<10240x128xf32, #tpu.memory_space<vmem_shared>> -> memref<10240x128xf32, #tpu.memory_space<vmem_shared>>
        tpu.enqueue_indirect_dma source(%arg8 : memref<128x128xf32, #tpu.memory_space<vmem>>) target(%dma_start3A_122 : memref<10240x128xf32, #tpu.memory_space<vmem_shared>>) offsets(%dma_start3A_119 : memref<128xi32, #tpu.memory_space<vmem>>) semaphore(%arg13 : memref<!tpu.dma_semaphore, #tpu.memory_space<semaphore_mem>>) {add = true}
      }
      %scan3A_60 = arith.constant 20 : i32
      %dma_wait3A_61 = arith.constant 0 : i32
      %dma_wait3A_62 = arith.constant 0 : i32
      %dma_wait3A_63 = tpu.memref_slice %arg6[%dma_wait3A_61, %dma_wait3A_62] : memref<40x128xi32, #tpu.memory_space<vmem>> -> memref<1x128xi32, #tpu.memory_space<vmem>>
      %dma_wait3A_64 = tpu.memref_squeeze %dma_wait3A_63 : memref<1x128xi32, #tpu.memory_space<vmem>> -> memref<128xi32, #tpu.memory_space<vmem>>
      %dma_wait3A_65 = arith.constant 0 : i32
      %dma_wait3A_66 = arith.constant 0 : i32
      %dma_wait3A_67 = tpu.memref_slice %arg9[%dma_wait3A_65, %dma_wait3A_66] : memref<10240x128xf32, #tpu.memory_space<vmem_shared>> -> memref<10240x128xf32, #tpu.memory_space<vmem_shared>>
      tpu.wait_indirect_dma semaphore(%arg13 : memref<!tpu.dma_semaphore, #tpu.memory_space<semaphore_mem>>) src(%arg8 : memref<128x128xf32, #tpu.memory_space<vmem>>) dst(%dma_wait3A_67 : memref<10240x128xf32, #tpu.memory_space<vmem_shared>>)
    }
    %scan3A_10 = arith.constant 2 : i32
    %barrier3A_11 = arith.constant 0 : index
    tpu.barrier barrier_id(%barrier3A_11)
    %mul3A_12 = arith.constant 640 : i32
    %mul3A_13 = arith.muli %arg1, %mul3A_12 : i32
    %mul3A_14 = arith.constant 640 : i32
    %mul3A_15 = arith.muli %arg1, %mul3A_14 : i32
    "tpu.region"() ({
      %run_scoped3A = tpu.sem_alloc : memref<!tpu.dma_semaphore, #tpu.memory_space<semaphore_mem>>
      %dma_start3A = arith.constant 0 : i32
      %dma_start3A_16 = tpu.memref_slice %arg4[%arg0, %mul3A_15, %dma_start3A] : memref<2x10240x128xf32, #tpu.memory_space<hbm>> -> memref<1x640x128xf32, #tpu.memory_space<hbm>>
      %dma_start3A_17 = tpu.memref_squeeze %dma_start3A_16 : memref<1x640x128xf32, #tpu.memory_space<hbm>> -> memref<640x128xf32, #tpu.memory_space<hbm>>
      %dma_start3A_18 = arith.constant 0 : i32
      %dma_start3A_19 = tpu.memref_slice %arg9[%mul3A_13, %dma_start3A_18] : memref<10240x128xf32, #tpu.memory_space<vmem_shared>> -> memref<640x128xf32, #tpu.memory_space<vmem_shared>>
      tpu.enqueue_dma source(%dma_start3A_19 : memref<640x128xf32, #tpu.memory_space<vmem_shared>>) target(%dma_start3A_17 : memref<640x128xf32, #tpu.memory_space<hbm>>) target_semaphore(%run_scoped3A : memref<!tpu.dma_semaphore, #tpu.memory_space<semaphore_mem>>)
      %dma_wait3A = arith.constant 0 : i32
      %dma_wait3A_20 = tpu.memref_slice %arg4[%arg0, %mul3A_15, %dma_wait3A] : memref<2x10240x128xf32, #tpu.memory_space<hbm>> -> memref<1x640x128xf32, #tpu.memory_space<hbm>>
      %dma_wait3A_21 = tpu.memref_squeeze %dma_wait3A_20 : memref<1x640x128xf32, #tpu.memory_space<hbm>> -> memref<640x128xf32, #tpu.memory_space<hbm>>
      %dma_wait3A_22 = arith.constant 0 : i32
      %dma_wait3A_23 = tpu.memref_slice %arg9[%mul3A_13, %dma_wait3A_22] : memref<10240x128xf32, #tpu.memory_space<vmem_shared>> -> memref<640x128xf32, #tpu.memory_space<vmem_shared>>
      tpu.wait_dma2 semaphore(%run_scoped3A : memref<!tpu.dma_semaphore, #tpu.memory_space<semaphore_mem>>) src(%dma_wait3A_23 : memref<640x128xf32, #tpu.memory_space<vmem_shared>>) dst(%dma_wait3A_21 : memref<640x128xf32, #tpu.memory_space<hbm>>)
      tpu.yield
    }) : () -> ()
    return
  }
}

module attributes {stable_mosaic.version = 14 : i64} {
  func.func @body(%arg0: i32, %arg1: memref<2560x128xf32, #tpu.memory_space<vmem>>, %arg2: memref<128x256xf32, #tpu.memory_space<vmem>>, %arg3: memref<2x2560xf32, #tpu.memory_space<vmem>>, %arg4: memref<2x2560x128xf32, #tpu.memory_space<vmem>>, %arg5: memref<2560x1xf32, #tpu.memory_space<vmem>>) attributes {dimension_semantics = [#tpu.dimension_semantics<arbitrary>], iteration_bounds = array<i64: 4>, scalar_prefetch = 0 : i64, scratch_operands = 0 : i64, tpu.core_type = #tpu.core_type<tc>, window_params = [{transform_indices = @transform_0, window_bounds = array<i64: 2560, 128>}, {pipeline_mode = #tpu.pipeline_mode<synchronous>, transform_indices = @transform_1, window_bounds = array<i64: 128, 256>}, {transform_indices = @transform_2, window_bounds = array<i64: 2, 2560>}, {transform_indices = @transform_3, window_bounds = array<i64: 2, 2560, 128>}, {transform_indices = @transform_4, window_bounds = array<i64: 2560, 1>}]} {
    %get3A = arith.constant 0 : index
    %get3A_0 = arith.constant 0 : index
    %get3A_1 = vector.load %arg3[%get3A, %get3A_0] : memref<2x2560xf32, #tpu.memory_space<vmem>>, vector<2x2560xf32>
    %slice3A = vector.extract_strided_slice %get3A_1 {offsets = [0, 0], sizes = [1, 2560], strides = [1, 1]} : vector<2x2560xf32> to vector<1x2560xf32>
    %squeeze3A = vector.shape_cast %slice3A : vector<1x2560xf32> to vector<2560xf32>
    %add3A = arith.constant 1.000000e+00 : f32
    %add3A_2 = vector.broadcast %add3A : f32 to vector<2560xf32>
    %add3A_3 = arith.addf %add3A_2, %squeeze3A : vector<2560xf32>
    %slice3A_4 = vector.extract_strided_slice %get3A_1 {offsets = [1, 0], sizes = [1, 2560], strides = [1, 1]} : vector<2x2560xf32> to vector<1x2560xf32>
    %squeeze3A_5 = vector.shape_cast %slice3A_4 : vector<1x2560xf32> to vector<2560xf32>
    %add3A_6 = arith.addf %add3A_3, %squeeze3A_5 : vector<2560xf32>
    %rsqrt3A = math.rsqrt %add3A_6 : vector<2560xf32>
    %broadcast_in_dim3A = vector.shape_cast %rsqrt3A : vector<2560xf32> to vector<2560x1xf32>
    %get3A_7 = arith.constant 0 : index
    %get3A_8 = arith.constant 0 : index
    %get3A_9 = vector.load %arg1[%get3A_7, %get3A_8] : memref<2560x128xf32, #tpu.memory_space<vmem>>, vector<2560x128xf32>
    %get3A_10 = arith.constant 0 : index
    %get3A_11 = arith.constant 0 : index
    %get3A_12 = vector.load %arg2[%get3A_10, %get3A_11] : memref<128x256xf32, #tpu.memory_space<vmem>>, vector<128x256xf32>
    %dot_general3A = arith.constant dense<0.000000e+00> : vector<2560x256xf32>
    %dot_general3A_13 = tpu.matmul %get3A_9, %get3A_12, %dot_general3A {dimension_numbers = #tpu.dot_dimension_numbers<[1], [0], [0], [1], [0, 0, 1, 1], [], []>, transpose_lhs_hint = false} : vector<2560x128xf32>, vector<128x256xf32>, vector<2560x256xf32> -> vector<2560x256xf32>
    %slice3A_14 = vector.extract_strided_slice %dot_general3A_13 {offsets = [0, 0], sizes = [2560, 128], strides = [1, 1]} : vector<2560x256xf32> to vector<2560x128xf32>
    %mul3A = vector.broadcast %broadcast_in_dim3A : vector<2560x1xf32> to vector<2560x128xf32>
    %mul3A_15 = arith.mulf %slice3A_14, %mul3A : vector<2560x128xf32>
    %swap3A = arith.constant 0 : index
    %swap3A_16 = arith.constant 0 : index
    %swap3A_17 = arith.constant 0 : index
    %swap3A_18 = vector.load %arg4[%swap3A, %swap3A_16, %swap3A_17] : memref<2x2560x128xf32, #tpu.memory_space<vmem>>, vector<1x2560x128xf32>
    %swap3A_19 = vector.shape_cast %swap3A_18 : vector<1x2560x128xf32> to vector<2560x128xf32>
    %swap3A_20 = vector.shape_cast %mul3A_15 : vector<2560x128xf32> to vector<1x2560x128xf32>
    tpu.vector_store %arg4[%swap3A, %swap3A_16, %swap3A_17], %swap3A_20 {strides = array<i32>} : memref<2x2560x128xf32, #tpu.memory_space<vmem>>, vector<1x2560x128xf32>,
    %slice3A_21 = vector.extract_strided_slice %dot_general3A_13 {offsets = [0, 128], sizes = [2560, 128], strides = [1, 1]} : vector<2560x256xf32> to vector<2560x128xf32>
    %mul3A_22 = vector.broadcast %broadcast_in_dim3A : vector<2560x1xf32> to vector<2560x128xf32>
    %mul3A_23 = arith.mulf %slice3A_21, %mul3A_22 : vector<2560x128xf32>
    %swap3A_24 = arith.constant 1 : index
    %swap3A_25 = arith.constant 0 : index
    %swap3A_26 = arith.constant 0 : index
    %swap3A_27 = vector.load %arg4[%swap3A_24, %swap3A_25, %swap3A_26] : memref<2x2560x128xf32, #tpu.memory_space<vmem>>, vector<1x2560x128xf32>
    %swap3A_28 = vector.shape_cast %swap3A_27 : vector<1x2560x128xf32> to vector<2560x128xf32>
    %swap3A_29 = vector.shape_cast %mul3A_23 : vector<2560x128xf32> to vector<1x2560x128xf32>
    tpu.vector_store %arg4[%swap3A_24, %swap3A_25, %swap3A_26], %swap3A_29 {strides = array<i32>} : memref<2x2560x128xf32, #tpu.memory_space<vmem>>, vector<1x2560x128xf32>,
    %swap3A_30 = arith.constant 0 : index
    %swap3A_31 = arith.constant 0 : index
    %swap3A_32 = vector.load %arg5[%swap3A_30, %swap3A_31] : memref<2560x1xf32, #tpu.memory_space<vmem>>, vector<2560x1xf32>
    tpu.vector_store %arg5[%swap3A_30, %swap3A_31], %broadcast_in_dim3A {strides = array<i32>} : memref<2560x1xf32, #tpu.memory_space<vmem>>, vector<2560x1xf32>,
    return
  }
  func.func @transform_0(%arg0: i32) -> (i32, i32) {
    %c0_i32 = arith.constant 0 : i32
    %c0_i32_0 = arith.constant 0 : i32
    return %arg0, %c0_i32 : i32, i32
  }
  func.func @transform_1(%arg0: i32) -> (i32, i32) {
    %c0_i32 = arith.constant 0 : i32
    %c0_i32_0 = arith.constant 0 : i32
    %c0_i32_1 = arith.constant 0 : i32
    return %c0_i32, %c0_i32_0 : i32, i32
  }
  func.func @transform_2(%arg0: i32) -> (i32, i32) {
    %c0_i32 = arith.constant 0 : i32
    %c0_i32_0 = arith.constant 0 : i32
    return %c0_i32, %arg0 : i32, i32
  }
  func.func @transform_3(%arg0: i32) -> (i32, i32, i32) {
    %c0_i32 = arith.constant 0 : i32
    %c0_i32_0 = arith.constant 0 : i32
    %c0_i32_1 = arith.constant 0 : i32
    return %c0_i32, %arg0, %c0_i32_0 : i32, i32, i32
  }
  func.func @transform_4(%arg0: i32) -> (i32, i32) {
    %c0_i32 = arith.constant 0 : i32
    %c0_i32_0 = arith.constant 0 : i32
    return %arg0, %c0_i32 : i32, i32
  }
}

module attributes {stable_mosaic.version = 14 : i64} {
  func.func @body(%arg0: i32, %arg1: memref<2x2560x128xf32, #tpu.memory_space<vmem>>, %arg2: memref<2560x1xf32, #tpu.memory_space<vmem>>, %arg3: memref<256xf32, #tpu.memory_space<vmem>>, %arg4: memref<256x128xf32, #tpu.memory_space<vmem>>, %arg5: memref<2560x128xf32, #tpu.memory_space<vmem>>) attributes {dimension_semantics = [#tpu.dimension_semantics<arbitrary>], iteration_bounds = array<i64: 4>, scalar_prefetch = 0 : i64, scratch_operands = 0 : i64, tpu.core_type = #tpu.core_type<tc>, window_params = [{transform_indices = @transform_0, window_bounds = array<i64: 2, 2560, 128>}, {transform_indices = @transform_1, window_bounds = array<i64: 2560, 1>}, {pipeline_mode = #tpu.pipeline_mode<synchronous>, transform_indices = @transform_2, window_bounds = array<i64: 256>}, {pipeline_mode = #tpu.pipeline_mode<synchronous>, transform_indices = @transform_3, window_bounds = array<i64: 256, 128>}, {transform_indices = @transform_4, window_bounds = array<i64: 2560, 128>}]} {
    %get3A = arith.constant 0 : index
    %get3A_0 = arith.constant 0 : index
    %get3A_1 = vector.load %arg2[%get3A, %get3A_0] : memref<2560x1xf32, #tpu.memory_space<vmem>>, vector<2560x1xf32>
    %get3A_2 = arith.constant 0 : index
    %get3A_3 = vector.load %arg3[%get3A_2] : memref<256xf32, #tpu.memory_space<vmem>>, vector<256xf32>
    %get3A_4 = arith.constant 0 : index
    %get3A_5 = arith.constant 0 : index
    %get3A_6 = arith.constant 0 : index
    %get3A_7 = vector.load %arg1[%get3A_4, %get3A_5, %get3A_6] : memref<2x2560x128xf32, #tpu.memory_space<vmem>>, vector<1x2560x128xf32>
    %get3A_8 = vector.shape_cast %get3A_7 : vector<1x2560x128xf32> to vector<2560x128xf32>
    %mul3A = vector.broadcast %get3A_1 : vector<2560x1xf32> to vector<2560x128xf32>
    %mul3A_9 = arith.mulf %get3A_8, %mul3A : vector<2560x128xf32>
    %slice3A = vector.extract_strided_slice %get3A_3 {offsets = [0], sizes = [128], strides = [1]} : vector<256xf32> to vector<128xf32>
    %broadcast_in_dim3A = vector.shape_cast %slice3A : vector<128xf32> to vector<1x128xf32>
    %add3A = vector.broadcast %broadcast_in_dim3A : vector<1x128xf32> to vector<2560x128xf32>
    %add3A_10 = arith.addf %mul3A_9, %add3A : vector<2560x128xf32>
    %max3A = arith.constant 0.000000e+00 : f32
    %max3A_11 = vector.broadcast %max3A : f32 to vector<2560x128xf32>
    %max3A_12 = arith.maximumf %add3A_10, %max3A_11 : vector<2560x128xf32>
    %get3A_13 = arith.constant 1 : index
    %get3A_14 = arith.constant 0 : index
    %get3A_15 = arith.constant 0 : index
    %get3A_16 = vector.load %arg1[%get3A_13, %get3A_14, %get3A_15] : memref<2x2560x128xf32, #tpu.memory_space<vmem>>, vector<1x2560x128xf32>
    %get3A_17 = vector.shape_cast %get3A_16 : vector<1x2560x128xf32> to vector<2560x128xf32>
    %mul3A_18 = vector.broadcast %get3A_1 : vector<2560x1xf32> to vector<2560x128xf32>
    %mul3A_19 = arith.mulf %get3A_17, %mul3A_18 : vector<2560x128xf32>
    %slice3A_20 = vector.extract_strided_slice %get3A_3 {offsets = [128], sizes = [128], strides = [1]} : vector<256xf32> to vector<128xf32>
    %broadcast_in_dim3A_21 = vector.shape_cast %slice3A_20 : vector<128xf32> to vector<1x128xf32>
    %add3A_22 = vector.broadcast %broadcast_in_dim3A_21 : vector<1x128xf32> to vector<2560x128xf32>
    %add3A_23 = arith.addf %mul3A_19, %add3A_22 : vector<2560x128xf32>
    %max3A_24 = arith.constant 0.000000e+00 : f32
    %max3A_25 = vector.broadcast %max3A_24 : f32 to vector<2560x128xf32>
    %max3A_26 = arith.maximumf %add3A_23, %max3A_25 : vector<2560x128xf32>
    %get3A_27 = arith.constant 0 : index
    %get3A_28 = arith.constant 0 : index
    %get3A_29 = vector.load %arg4[%get3A_27, %get3A_28] : memref<256x128xf32, #tpu.memory_space<vmem>>, vector<128x128xf32>
    %dot_general3A = arith.constant dense<0.000000e+00> : vector<2560x128xf32>
    %dot_general3A_30 = tpu.matmul %max3A_12, %get3A_29, %dot_general3A {dimension_numbers = #tpu.dot_dimension_numbers<[1], [0], [0], [1], [0, 0, 1, 1], [], []>, transpose_lhs_hint = false} : vector<2560x128xf32>, vector<128x128xf32>, vector<2560x128xf32> -> vector<2560x128xf32>
    %get3A_31 = arith.constant 128 : index
    %get3A_32 = arith.constant 0 : index
    %get3A_33 = vector.load %arg4[%get3A_31, %get3A_32] : memref<256x128xf32, #tpu.memory_space<vmem>>, vector<128x128xf32>
    %dot_general3A_34 = arith.constant dense<0.000000e+00> : vector<2560x128xf32>
    %dot_general3A_35 = tpu.matmul %max3A_26, %get3A_33, %dot_general3A_34 {dimension_numbers = #tpu.dot_dimension_numbers<[1], [0], [0], [1], [0, 0, 1, 1], [], []>, transpose_lhs_hint = false} : vector<2560x128xf32>, vector<128x128xf32>, vector<2560x128xf32> -> vector<2560x128xf32>
    %add3A_36 = arith.addf %dot_general3A_30, %dot_general3A_35 : vector<2560x128xf32>
    %mul3A_37 = vector.broadcast %get3A_1 : vector<2560x1xf32> to vector<2560x128xf32>
    %mul3A_38 = arith.mulf %add3A_36, %mul3A_37 : vector<2560x128xf32>
    %swap3A = arith.constant 0 : index
    %swap3A_39 = arith.constant 0 : index
    %swap3A_40 = vector.load %arg5[%swap3A, %swap3A_39] : memref<2560x128xf32, #tpu.memory_space<vmem>>, vector<2560x128xf32>
    tpu.vector_store %arg5[%swap3A, %swap3A_39], %mul3A_38 {strides = array<i32>} : memref<2560x128xf32, #tpu.memory_space<vmem>>, vector<2560x128xf32>,
    return
  }
  func.func @transform_0(%arg0: i32) -> (i32, i32, i32) {
    %c0_i32 = arith.constant 0 : i32
    %c0_i32_0 = arith.constant 0 : i32
    %c0_i32_1 = arith.constant 0 : i32
    return %c0_i32, %arg0, %c0_i32_0 : i32, i32, i32
  }
  func.func @transform_1(%arg0: i32) -> (i32, i32) {
    %c0_i32 = arith.constant 0 : i32
    %c0_i32_0 = arith.constant 0 : i32
    return %arg0, %c0_i32 : i32, i32
  }
  func.func @transform_2(%arg0: i32) -> i32 {
    %c0_i32 = arith.constant 0 : i32
    %c0_i32_0 = arith.constant 0 : i32
    return %c0_i32 : i32
  }
  func.func @transform_3(%arg0: i32) -> (i32, i32) {
    %c0_i32 = arith.constant 0 : i32
    %c0_i32_0 = arith.constant 0 : i32
    %c0_i32_1 = arith.constant 0 : i32
    return %c0_i32, %c0_i32_0 : i32, i32
  }
  func.func @transform_4(%arg0: i32) -> (i32, i32) {
    %c0_i32 = arith.constant 0 : i32
    %c0_i32_0 = arith.constant 0 : i32
    return %arg0, %c0_i32 : i32, i32
  }
}

module attributes {stable_mosaic.version = 14 : i64} {
  func.func @body(%arg0: i32, %arg1: memref<2x5000x128xf32, #tpu.memory_space<vmem>>, %arg2: memref<5000x128xf32, #tpu.memory_space<vmem>>, %arg3: memref<5000x1xf32, #tpu.memory_space<vmem>>, %arg4: memref<128xf32, #tpu.memory_space<vmem>>, %arg5: memref<5000x128xf32, #tpu.memory_space<vmem>>) attributes {dimension_semantics = [#tpu.dimension_semantics<arbitrary>], iteration_bounds = array<i64: 2>, scalar_prefetch = 0 : i64, scratch_operands = 0 : i64, tpu.core_type = #tpu.core_type<tc>, window_params = [{transform_indices = @transform_0, window_bounds = array<i64: 2, 5000, 128>}, {transform_indices = @transform_1, window_bounds = array<i64: 5000, 128>}, {transform_indices = @transform_2, window_bounds = array<i64: 5000, 1>}, {pipeline_mode = #tpu.pipeline_mode<synchronous>, transform_indices = @transform_3, window_bounds = array<i64: 128>}, {transform_indices = @transform_4, window_bounds = array<i64: 5000, 128>}]} {
    %get3A = arith.constant 0 : index
    %get3A_0 = arith.constant 0 : index
    %get3A_1 = vector.load %arg3[%get3A, %get3A_0] : memref<5000x1xf32, #tpu.memory_space<vmem>>, vector<5000x1xf32>
    %get3A_2 = arith.constant 0 : index
    %get3A_3 = vector.load %arg4[%get3A_2] : memref<128xf32, #tpu.memory_space<vmem>>, vector<128xf32>
    %get3A_4 = arith.constant 0 : index
    %get3A_5 = arith.constant 0 : index
    %get3A_6 = arith.constant 0 : index
    %get3A_7 = vector.load %arg1[%get3A_4, %get3A_5, %get3A_6] : memref<2x5000x128xf32, #tpu.memory_space<vmem>>, vector<1x5000x128xf32>
    %get3A_8 = vector.shape_cast %get3A_7 : vector<1x5000x128xf32> to vector<5000x128xf32>
    %get3A_9 = arith.constant 1 : index
    %get3A_10 = arith.constant 0 : index
    %get3A_11 = arith.constant 0 : index
    %get3A_12 = vector.load %arg1[%get3A_9, %get3A_10, %get3A_11] : memref<2x5000x128xf32, #tpu.memory_space<vmem>>, vector<1x5000x128xf32>
    %get3A_13 = vector.shape_cast %get3A_12 : vector<1x5000x128xf32> to vector<5000x128xf32>
    %add3A = arith.addf %get3A_8, %get3A_13 : vector<5000x128xf32>
    %get3A_14 = arith.constant 0 : index
    %get3A_15 = arith.constant 0 : index
    %get3A_16 = vector.load %arg2[%get3A_14, %get3A_15] : memref<5000x128xf32, #tpu.memory_space<vmem>>, vector<5000x128xf32>
    %sub3A = arith.subf %add3A, %get3A_16 : vector<5000x128xf32>
    %mul3A = vector.broadcast %get3A_1 : vector<5000x1xf32> to vector<5000x128xf32>
    %mul3A_17 = arith.mulf %sub3A, %mul3A : vector<5000x128xf32>
    %broadcast_in_dim3A = vector.shape_cast %get3A_3 : vector<128xf32> to vector<1x128xf32>
    %add3A_18 = vector.broadcast %broadcast_in_dim3A : vector<1x128xf32> to vector<5000x128xf32>
    %add3A_19 = arith.addf %mul3A_17, %add3A_18 : vector<5000x128xf32>
    %swap3A = arith.constant 0 : index
    %swap3A_20 = arith.constant 0 : index
    %swap3A_21 = vector.load %arg5[%swap3A, %swap3A_20] : memref<5000x128xf32, #tpu.memory_space<vmem>>, vector<5000x128xf32>
    tpu.vector_store %arg5[%swap3A, %swap3A_20], %add3A_19 {strides = array<i32>} : memref<5000x128xf32, #tpu.memory_space<vmem>>, vector<5000x128xf32>,
    return
  }
  func.func @transform_0(%arg0: i32) -> (i32, i32, i32) {
    %c0_i32 = arith.constant 0 : i32
    %c0_i32_0 = arith.constant 0 : i32
    %c0_i32_1 = arith.constant 0 : i32
    return %c0_i32, %arg0, %c0_i32_0 : i32, i32, i32
  }
  func.func @transform_1(%arg0: i32) -> (i32, i32) {
    %c0_i32 = arith.constant 0 : i32
    %c0_i32_0 = arith.constant 0 : i32
    return %arg0, %c0_i32 : i32, i32
  }
  func.func @transform_2(%arg0: i32) -> (i32, i32) {
    %c0_i32 = arith.constant 0 : i32
    %c0_i32_0 = arith.constant 0 : i32
    return %arg0, %c0_i32 : i32, i32
  }
  func.func @transform_3(%arg0: i32) -> i32 {
    %c0_i32 = arith.constant 0 : i32
    %c0_i32_0 = arith.constant 0 : i32
    return %c0_i32 : i32
  }
  func.func @transform_4(%arg0: i32) -> (i32, i32) {
    %c0_i32 = arith.constant 0 : i32
    %c0_i32_0 = arith.constant 0 : i32
    return %arg0, %c0_i32 : i32, i32
  }
}

</mosaic_0001>

<sc_bundles>
// kernel: kernel.11.cloned.1.call-start
scs
__scs_entry_jumppad:
0x0: {  	(pc) =	sbr.rel $0x88, $3  }
0x1: {  	(tag) =	ssettag $0x0;
	lr =	simm.s32 $0x1  }
0x2: {  	[smem:$0x3F9B] =	sst lr;
	_ =	strace $0xD0000000  }
0x3: {  	_ = 	snop  }
0x4: {  	_ = 	snop  }
0x5: {  	_ = 	snop  }
0x6: {  	_ = 	snop  }
0x7: {  	_ = 	snop  }
__scs_overlays_trampoline_lowered:
0x8: {  	[smem:$0x3FAA] =	sst s0  }
0x9: {  	[smem:$0x3FAB] =	sst s1  }
0xa: {  	[smem:$0x3FAC] =	sst s2  }
0xb: {  	[smem:$0x3FAD] =	sst s3  }
0xc: {  	[smem:$0x3FAE] =	sst s4  }
0xd: {  	[smem:$0x3FAF] =	sst s5  }
0xe: {  	[smem:$0x3FB0] =	sst s6  }
0xf: {  	[smem:$0x3FB1] =	sst s7  }
0x10: {  	[smem:$0x3FB2] =	sst s8  }
0x11: {  	[smem:$0x3FB3] =	sst s9;
	s0 =	simm.s32 @!p0 $0x0  }
0x12: {  	s1 =	sld [smem:$0x3F99];
	s0 =	simm.s32 @p0 $0x1  }
0x13: {  	[smem:$0x3FB4] =	sst s0;
	s0 =	simm.s32 @!p1 $0x0  }
0x14: {  	s2 =	sld [smem:$0x3F98];
	s0 =	simm.s32 @p1 $0x1  }
0x15: {  	[smem:$0x3FB5] =	sst s0;
	s0 =	simm.s32 @!p2 $0x0  }
0x16: {  	s3 =	sld [smem:$0x3FDB];
	s0 =	simm.s32 @p2 $0x1  }
0x17: {  	s4 =	simm.s32 $0x1BF5;
	[smem:$0x3FB7] =	sst s0  }
0x18: {  	s0 =	sld [smem:$0x3F9A];
	_ =	swait.ge [sflag:s4], $0x0  }
0x19: {  	s7 =	sld [smem:$0x3F9B]  }
0x1a: {  	s8 =	sadd.s32 $0xFFFFE003, lr  }
0x1b: {  	s9 =	sadd.s32 $0xFFFFFEF7, lr;
	s5 =	simm.s32 $0xFFFFFFFF;
	p2 =	slt.u32 s8, $0xFFFFF086  }
0x1c: {  	p1 =	slt.u32 s9, $0xF7A;
	s5 =	simm.s32 @!p2 $0x0  }
0x1d: {  	s5 =	simm.s32 @p1 $0x1;
	p0 =	seq.s32 s7, s2  }
0x1e: {  	s7 =	smul.u32 @!p0 $0xF7A, s2;
	p2 =	seq.s32 @!p0 s5, $0x0  }
0x1f: {  	s9 =	smul.u32 $0xF7A, s1;
	s8 =	simm.s32 @!p0 $0x1BF5;
	p2 =	por !p2, p0  }
0x20: {  	[sflag:s8] =	ssyncset.s32 @!p0 $0xFFFFF086;
	s6 =	sadd.s32 @!p0 s3, s7;
	s7 =	simm.s32 @!p0 $0x108  }
0x21: {  	s3 =	sadd.s32 s3, s9;
	s6 =	sadd.s32 @!p0 $0x88, s6;
	s7 =	simm.s32 @p2 $0x1082  }
0x22: {  	[simem:s7], [sflag:s8] =	dma.local @!p0 [hbm:s6], $0xF7A  }
0x23: {  	s9 =	sor.u32 $0xD0000000, s2;
	s6 =	simm.s32 $0x108;
	_ =	swait.ge @!p0 [sflag:s8], $0x0  }
0x24: {  	s3 =	sadd.s32 $0x88, s3;
	s6 =	simm.s32 @!p1 $0x1082;
	[sflag:s4] =	ssyncset.s32 $0xFFFFF086  }
0x25: {  	[simem:s6], [sflag:s4] =	dma.local [hbm:s3], $0xF7A  }
0x26: {  	[smem:$0x3F9B] =	sst s1;
	(tag) =	ssettag s2;
	_ =	strace s9  }
0x27: {  	s1 =	sld [smem:$0x3FAB]  }
0x28: {  	s2 =	sld [smem:$0x3FAC]  }
0x29: {  	s4 =	sld [smem:$0x3FAE]  }
0x2a: {  	p0 =	seq.s32 s5, $0x0;
	s5 =	sld [smem:$0x3FAF]  }
0x2b: {  	s6 =	sld [smem:$0x3FB0]  }
0x2c: {  	s7 =	sld [smem:$0x3FB1]  }
0x2d: {  	s3 =	simm.s32 $0x108;
	s8 =	sld [smem:$0x3FB2]  }
0x2e: {  	s3 =	simm.s32 @!p0 $0x1082;
	s9 =	sld [smem:$0x3FB3]  }
0x2f: {  	lr =	sadd.s32 s0, s3;
	s0 =	sld [smem:$0x3FAA]  }
0x30: {  	s3 =	sld [smem:$0x3FAD]  }
0x31: {  	[smem:$0x3FB6] =	sst s10  }
0x32: {  	s10 =	sld [smem:$0x3FB4];
	_ =	sdelay $0x3  }
0x33: {  	p0 =	seq.s32 s10, $0x1;
	s10 =	sld [smem:$0x3FB6];
	_ =	sdelay $0x3  }
0x34: {  	[smem:$0x3FB6] =	sst s10  }
0x35: {  	s10 =	sld [smem:$0x3FB5];
	_ =	sdelay $0x3  }
0x36: {  	p1 =	seq.s32 s10, $0x1;
	s10 =	sld [smem:$0x3FB6];
	_ =	sdelay $0x3  }
0x37: {  	[smem:$0x3FB6] =	sst s10  }
0x38: {  	s10 =	sld [smem:$0x3FB7]  }
0x39: {  	_ = 	snop;
	(pc) =	sbr.ind lr, $3  }
0x3a: {  	_ = 	snop  }
0x3b: {  	_ = 	snop  }
0x3c: {  	p2 =	seq.s32 s10, $0x1;
	s10 =	sld [smem:$0x3FB6]  }
0x3d: {  	_ =	shalt  }
0x3e: {  	_ =	shalt  }
0x3f: {  	_ =	shalt  }
0x40: {  	_ =	shalt  }
0x41: {  	_ =	shalt  }
0x42: {  	_ =	shalt  }
0x43: {  	_ =	shalt  }
0x44: {  	_ =	shalt  }
0x45: {  	_ =	shalt  }
0x46: {  	_ =	shalt  }
0x47: {  	_ =	shalt  }
0x48: {  	_ =	shalt  }
0x49: {  	_ =	shalt  }
0x4a: {  	_ =	shalt  }
0x4b: {  	_ =	shalt  }
0x4c: {  	_ =	shalt  }
0x4d: {  	_ =	shalt  }
0x4e: {  	_ =	shalt  }
0x4f: {  	_ =	shalt  }
0x50: {  	_ =	shalt  }
0x51: {  	_ =	shalt  }
0x52: {  	_ =	shalt  }
0x53: {  	_ =	shalt  }
0x54: {  	_ =	shalt  }
0x55: {  	_ =	shalt  }
0x56: {  	_ =	shalt  }
0x57: {  	_ =	shalt  }
0x58: {  	_ =	shalt  }
0x59: {  	_ =	shalt  }
0x5a: {  	_ =	shalt  }
0x5b: {  	_ =	shalt  }
0x5c: {  	_ =	shalt  }
0x5d: {  	_ =	shalt  }
0x5e: {  	_ =	shalt  }
0x5f: {  	_ =	shalt  }
0x60: {  	_ =	shalt  }
0x61: {  	_ =	shalt  }
0x62: {  	_ =	shalt  }
0x63: {  	_ =	shalt  }
0x64: {  	_ =	shalt  }
0x65: {  	_ =	shalt  }
0x66: {  	_ =	shalt  }
0x67: {  	_ =	shalt  }
0x68: {  	_ =	shalt  }
0x69: {  	_ =	shalt  }
0x6a: {  	_ =	shalt  }
0x6b: {  	_ =	shalt  }
0x6c: {  	_ =	shalt  }
0x6d: {  	_ =	shalt  }
0x6e: {  	_ =	shalt  }
0x6f: {  	_ =	shalt  }
0x70: {  	_ =	shalt  }
0x71: {  	_ =	shalt  }
0x72: {  	_ =	shalt  }
0x73: {  	_ =	shalt  }
0x74: {  	_ =	shalt  }
0x75: {  	_ =	shalt  }
0x76: {  	_ =	shalt  }
0x77: {  	_ =	shalt  }
0x78: {  	_ =	shalt  }
0x79: {  	_ =	shalt  }
0x7a: {  	_ =	shalt  }
0x7b: {  	_ =	shalt  }
0x7c: {  	_ =	shalt  }
0x7d: {  	_ =	shalt  }
0x7e: {  	_ =	shalt  }
0x7f: {  	_ =	shalt  }
0x80: {  	_ =	shalt  }
0x81: {  	_ =	shalt  }
0x82: {  	_ =	shalt  }
0x83: {  	_ =	shalt  }
0x84: {  	_ =	shalt  }
0x85: {  	_ =	shalt  }
0x86: {  	_ =	shalt  }
0x87: {  	_ =	shalt  }
.Lfunc_end0:
.L_simem_size_0:
called_computation.1_lowered:
.L_overlay_start_0:
0x88: {  	s2 =	sld [smem:$0x3FD9]  }
0x89: {  	s3 =	sld [smem:$0x3FFE];
	_ =	sdelay $0x1  }
0x8a: {  	s1 =	srdreg.scid  }
0x8b: {  	s0 =	sand.u32 $0x1, s1  }
0x8c: {  	s17 =	sshll.u32 s0, $0xA;
	s2 =	sadd.s32 s3, s2  }
0x8d: {  	s2 =	sadd.s32 s2, s17  }
0x8e: {  	[smem:$0x3FC2] =	sst s2  }
0x8f: {  	_ = 	snop  }
0x90: {  	s2 =	sld [smem:$0x3FD0];
	(tm) =	ssettm $0x1  }
0x91: {  	s18 =	sld [smem:$0x3FFB];
	_ =	sdelay $0x3  }
0x92: {  	_ =	strace s18  }
0x93: {  	s3 =	sld [smem:$0x3FFC];
	_ =	sdelay $0x3  }
0x94: {  	_ =	strace s3  }
0x95: {  	s3 =	sld [smem:$0x3FFD];
	_ =	sdelay $0x3  }
0x96: {  	_ =	strace s3  }
0x97: {  	_ =	strace $0x8FFFFFFF  }
0x98: {  	s19 =	sld [smem:$0x3FDB];
	_ =	sdelay $0x1  }
0x99: {  	s4 =	simm.s32 $_scs_section_size  }
0x9a: {  	s5 =	simm.s32 $_size__tile_overlayer_lowered;
	s6 =	simm.s32 $_tile_overlayer_lowered  }
0x9b: {  	s22 =	simm.s32 $0x1BFF;
	s21 =	sshll.u32 s6, $0x1;
	s3 =	sadd.s32 s4, s19  }
0x9c: {  	s7 =	simm.s32 $0x0;
	s20 =	sshll.u32 s5, $0x1;
	s5 =	sadd.s32 s21, s3  }
0x9d: {  	[timem:s7], [sflag:s22] =	dma.local [hbm:s5], s20  }
0x9e: {  	_ =	swait.ge [sflag:s22], s20  }
0x9f: {  	s4 =	ssub.s32 $0x0, s20;
	[sflag:s22] =	ssyncset.done $0x0  }
0xa0: {  	[sflag:s22] =	ssyncadd.s32 s4;
	_ =	sdelay $0x1  }
0xa1: {  	s23 =	simm.s32 $0x1B8B  }
0xa2: {  	_ =	swait.ge [sflag:s23], $0x1  }
0xa3: {  	[sflag:s23] =	ssyncset.done $0x0  }
0xa4: {  	s25 =	simm.s32 $0x1B8E;
	s24 =	sld [smem:$0x3FFE];
	[sflag:s23] =	ssyncadd.s32 $0xFFFFFFFF  }
0xa5: {  	s26 =	simm.s32 $execute0_lowered;
	[smem:$0x3FD2] =	sst s25  }
0xa6: {  	s5 =	sshll.u32 s26, $0x1;
	_ =	strace $0x80000049;
	[dreg:$0x1] =	wrdreg $0xFFFFFFFF  }
0xa7: {  	s28 =	simm.s32 $_size_execute0_lowered;
	s3 =	sadd.s32 s3, s5;
	[dreg:$0x0] =	wrdreg $0x0  }
0xa8: {  	s5 =	sshll.u32 s28, $0x1;
	[dreg:$0x2] =	wrdreg s3  }
0xa9: {  	[dreg:$0x3] =	wrdreg s5  }
0xaa: {  	[dreg:$0x4] =	wrdreg $0xC0  }
0xab: {  	_ =	task [dreg:s7], $0x5FFFF  }
0xac: {  	[dreg:$0x1] =	wrdreg $0xFFFFFFFF  }
0xad: {  	[dreg:$0x0] =	wrdreg $0x60  }
0xae: {  	[dreg:$0x2] =	wrdreg s24  }
0xaf: {  	[dreg:$0x3] =	wrdreg s2  }
0xb0: {  	[dreg:$0x4] =	wrdreg $0xA8000  }
0xb1: {  	[dreg:$0x5] =	wrdreg $0x9  }
0xb2: {  	_ =	task.clear_ibuf [dreg:s7], $0x6FFFF;
	_ =	strace $0x90000049  }
0xb3: {  	s29 =	simm.s32 $0x9;
	_ =	strace $0x8000004B  }
0xb4: {  	_ =	swait.ge [sflag:s29], $0x1  }
0xb5: {  	[sflag:s29] =	ssyncadd.s32 $0xFFFFFFFF  }
0xb6: {  	_ =	strace $0x9000004B  }
0xb7: {  	_ =	sfence  }
0xb8: {  	s30 =	sld [smem:$0x0];
	_ =	sdelay $0x2  }
0xb9: {  	s31 =	sshll.u32 s1, $0xD;
	s1 =	sshrl.u32 s1, $0x2  }
0xba: {  	s3 =	sand.u32 $0x4000, s31;
	s1 =	sadd.s32 s1, s30  }
0xbb: {  	s0 =	sor.u32 s3, s0;
	s1 =	sshll.u32 s1, $0x11  }
0xbc: {  	s0 =	sor.u32 s1, s0  }
0xbd: {  	s0 =	sadd.s32 $0x8F2B, s0  }
0xbe: {  	[sflag:s0] =	ssyncadd.remote.s32 $0x1  }
0xbf: {  	_ =	sfence.sel $0xFFFF  }
0xc0: {  	[dreg:$0x0] =	wrdreg $0xFFFFFFFF;
	(pc) =	sbr.abs _section_cstart, $3  }
0xc1: {  	[dreg:$0x1] =	wrdreg $0xFFFFFFFF  }
0xc2: {  	_ =	task.clear_ibuf [dreg:s7], $0x2FFFF;
	_ =	strace $0x9FFFFFFF  }
0xc3: {  	(tm) =	ssettm $0x7FFFFFFF  }
tec
execute0_lowered:
.L_overlay_start_1:
0x0: {  	(tag) =	ssettag $0x1  }
0x1: {  	s5 =	rddreg [dreg:$0x0]  }
0x2: {  	s1 =	rddreg [dreg:$0x1]  }
0x3: {  	s2 =	rddreg [dreg:$0x2];
	s3 =	srdreg.scid;
	s4 =	simm.s32 $0x0  }
0x4: {  	s14 =	simm.s32 $0x1400;
	s15 =	simm.s32 $0x1;
	s16 =	simm.s32 $0x2  }
0x5: {  	s17 =	simm.s32 $0x80;
	s18 =	simm.s32 $0x2800;
	s19 =	simm.s32 $0x6800  }
0x6: {  	s20 =	simm.s32 $0x3;
	s21 =	simm.s32 $0x100;
	s22 =	simm.s32 $0x1480  }
0x7: {  	s23 =	simm.s32 $0x4;
	s24 =	simm.s32 $0x1380;
	s6 =	sand.u32 $0x1, s3  }
0x8: {  	s25 =	simm.s32 $0x2700;
	s3 =	stileid.u32;
	s7 =	smul.u32 $0x140000, s6  }
0x9: {  	s28 =	simm.s32 $0x0;
	[smem:$0x7FF] =	sst s4;
	s8 =	smul.u32 $0x14000, s3  }
0xa: {  	_ =	strace $0x8000004A;
	s10 =	smul.u32 $0x50000, s3;
	s6 =	ssub.s32 $0x2, s6  }
0xb: {  	s31 =	sshll.u32 s3, $0x6;
	s26 =	sshrl.u32 s6, $0x1;
	s9 =	sshrl.u32 s7, $0x3  }
0xc: {  	s7 =	sadd.s32 s8, s7;
	s29 =	sshrl.u32 s10, $0x2;
	s12 =	ssub.s32 s6, s26  }
0xd: {  	s30 =	sshrl.u32 s8, $0x3;
	s8 =	sor.u32 $0x1C05, s31;
	s26 =	simm.s32 $0x2780  }
0xe: {  	s9 =	sadd.s32 s9, s5;
	s7 =	sshrl.u32 s7, $0x3;
	s13 =	sadd.s32 s29, s2  }
0xf: {  	s11 =	sadd.s32 s7, s5;
	s5 =	smul.u32 $0xA0, s3;
	s6 =	sadd.s32 $0x2A00, s9  }
0x10: {  	s9 =	sadd.s32 $0xA000, s1;
	s7 =	sadd.s32 s30, s6;
	s10 =	sadd.s32 $0x52A00, s11  }
0x11: {  	s11 =	smax.u32 s12, $0x1;
	s12 =	sshrl.u32 s13, $0x3;
	s13 =	simm.s32 $0x5  }
.LBB2_1:
0x12: {  	[spmem:s12], [sflag:s8] =	dma.local [hbm:s7], $0x2800  }
0x13: {  	_ =	swait.ge [sflag:s13], $0x2800  }
0x14: {  	[sflag:s13] =	ssyncset.done $0x0  }
0x15: {  	[sflag:s13] =	ssyncadd.s32 $0xFFFFD800  }
0x16: {  	s29 =	simm.s32 $0x0;
	[bflag:$0x0] =	sbarrier.arrive $0xFFFF  }
.LBB2_2:
0x17: {  	s30 =	smul.u32 $0x28, s29;
	_ =	sdelay $0x1  }
0x18: {  	s30 =	sadd.s32 s5, s30  }
0x19: {  	s30 =	sshll.u32 s30, $0x4  }
0x1a: {  	s31 =	sadd.s32 s1, s30  }
0x1b: {  	[tilespmem:s4], [sflag:$0x1] =	stream.linear.gather [hbm4b:s31+s4], $0x1400, $0x38;
	[tilespmem:$0x1E800] =	vst v63  }
0x1c: {  	s30 =	sadd.s32 s30, s9  }
0x1d: {  	[tilespmem:s14], [sflag:$0x2] =	stream.linear.gather [hbm4b:s30+s4], $0x1400, $0x38;
	[tilespmem:$0x1E800] =	vst v63  }
0x1e: {  	_ =	swait.ge [sflag:s15], $0x1400  }
0x1f: {  	[sflag:s15] =	ssyncset.done $0x0  }
0x20: {  	[sflag:s15] =	ssyncadd.s32 $0xFFFFEC00  }
0x21: {  	_ =	swait.ge [sflag:s16], $0x1400  }
0x22: {  	[sflag:s16] =	ssyncset.done $0x0  }
0x23: {  	[sflag:s16] =	ssyncadd.s32 $0xFFFFEC00  }
0x24: {  	[tilespmem:s18], [sflag:$0x1] =	stream.indirect.gather [hbm4b:s6+s17], $0x80, s4, s17, $0xb8;
	[tilespmem:$0x1E800] =	vst v63  }
0x25: {  	_ = 	snop  }
0x26: {  	[tilespmem:s19], [sflag:$0x2] =	stream.indirect.gather [hbm4b:s6+s17], $0x80, s17, s17, $0xb8;
	[tilespmem:$0x1E800] =	vst v63  }
0x27: {  	_ =	swait.ge [sflag:s15], $0x4000  }
0x28: {  	[sflag:s15] =	ssyncset.done $0x0  }
0x29: {  	[sflag:s15] =	ssyncadd.s32 $0xFFFFC000  }
0x2a: {  	[spmem:s2] =	stream.indirect.scatter.add.f32 [tilespmem:s18], [sflag:$0x3], $0x80, s14, s17, $0xb8;
	[tilespmem:$0x1E800] =	vst v63  }
0x2b: {  	_ =	swait.ge [sflag:s20], $0x4000  }
0x2c: {  	[sflag:s20] =	ssyncset.done $0x0  }
0x2d: {  	[sflag:s20] =	ssyncadd.s32 $0xFFFFC000  }
0x2e: {  	[tilespmem:s18], [sflag:$0x1] =	stream.indirect.gather [hbm4b:s6+s17], $0x80, s21, s17, $0xb8;
	[tilespmem:$0x1E800] =	vst v63  }
0x2f: {  	_ =	swait.ge [sflag:s16], $0x4000  }
0x30: {  	[sflag:s16] =	ssyncset.done $0x0  }
0x31: {  	[sflag:s16] =	ssyncadd.s32 $0xFFFFC000  }
0x32: {  	[spmem:s2] =	stream.indirect.scatter.add.f32 [tilespmem:s19], [sflag:$0x4], $0x80, s22, s17, $0xb8;
	[tilespmem:$0x1E800] =	vst v63  }
0x33: {  	_ =	swait.ge [sflag:s23], $0x4000  }
0x34: {  	[sflag:s23] =	ssyncset.done $0x0  }
0x35: {  	s30 =	simm.s32 $0x180;
	[sflag:s23] =	ssyncadd.s32 $0xFFFFC000  }
0x36: {  	[tilespmem:s19], [sflag:$0x2] =	stream.indirect.gather [hbm4b:s6+s17], $0x80, s30, s17, $0xb8;
	[tilespmem:$0x1E800] =	vst v63  }
0x37: {  	_ =	swait.ge [sflag:s15], $0x4000  }
0x38: {  	[sflag:s15] =	ssyncset.done $0x0  }
0x39: {  	s30 =	simm.s32 $0x1500;
	[sflag:s15] =	ssyncadd.s32 $0xFFFFC000  }
0x3a: {  	[spmem:s2] =	stream.indirect.scatter.add.f32 [tilespmem:s18], [sflag:$0x3], $0x80, s30, s17, $0xb8;
	[tilespmem:$0x1E800] =	vst v63  }
0x3b: {  	_ =	swait.ge [sflag:s20], $0x4000  }
0x3c: {  	[sflag:s20] =	ssyncset.done $0x0  }
0x3d: {  	s30 =	simm.s32 $0x200;
	[sflag:s20] =	ssyncadd.s32 $0xFFFFC000  }
0x3e: {  	[tilespmem:s18], [sflag:$0x1] =	stream.indirect.gather [hbm4b:s6+s17], $0x80, s30, s17, $0xb8;
	[tilespmem:$0x1E800] =	vst v63  }
0x3f: {  	_ =	swait.ge [sflag:s16], $0x4000  }
0x40: {  	[sflag:s16] =	ssyncset.done $0x0  }
0x41: {  	s31 =	simm.s32 $0x1580;
	s30 =	simm.s32 $0xFFFFBC00;
	[sflag:s16] =	ssyncadd.s32 $0xFFFFC000  }
.LBB2_3:
0x42: {  	[spmem:s2] =	stream.indirect.scatter.add.f32 [tilespmem:s19], [sflag:$0x4], $0x80, s31, s17, $0xb8;
	[tilespmem:$0x1E800] =	vst v63  }
0x43: {  	s31 =	smov.u32 s30  }
0x44: {  	p0 =	sne.s32 s30, $0xFFFFFC00;
	s30 =	sadd.s32 $0x400, s30;
	_ =	swait.ge [sflag:s23], $0x4000  }
0x45: {  	s31 =	sshra.s32 s31, $0x2;
	[sflag:s23] =	ssyncset.done $0x0  }
0x46: {  	s0 =	sadd.s32 $0x1380, s31;
	[sflag:s23] =	ssyncadd.s32 $0xFFFFC000  }
0x47: {  	[tilespmem:s19], [sflag:$0x2] =	stream.indirect.gather [hbm4b:s6+s17], $0x80, s0, s17, $0xb8;
	[tilespmem:$0x1E800] =	vst v63  }
0x48: {  	_ =	swait.ge [sflag:s15], $0x4000  }
0x49: {  	[sflag:s15] =	ssyncset.done $0x0  }
0x4a: {  	s0 =	sadd.s32 $0x2700, s31;
	[sflag:s15] =	ssyncadd.s32 $0xFFFFC000  }
0x4b: {  	[spmem:s2] =	stream.indirect.scatter.add.f32 [tilespmem:s18], [sflag:$0x3], $0x80, s0, s17, $0xb8;
	[tilespmem:$0x1E800] =	vst v63  }
0x4c: {  	_ =	swait.ge [sflag:s20], $0x4000  }
0x4d: {  	[sflag:s20] =	ssyncset.done $0x0  }
.Ltmp0:
0x4e: {  	s0 =	sadd.s32 $0x1400, s31;
	[sflag:s20] =	ssyncadd.s32 $0xFFFFC000;
	(pc) =	sbr.rel @p0 .LBB2_3-.Ltmp0, $4  }
0x4f: {  	[tilespmem:s18], [sflag:$0x1] =	stream.indirect.gather [hbm4b:s6+s17], $0x80, s0, s17, $0xb8;
	[tilespmem:$0x1E800] =	vst v63  }
0x50: {  	_ =	swait.ge [sflag:s16], $0x4000  }
0x51: {  	[sflag:s16] =	ssyncset.done $0x0  }
0x52: {  	s31 =	sadd.s32 $0x2780, s31;
	[sflag:s16] =	ssyncadd.s32 $0xFFFFC000  }
0x53: {  	[spmem:s2] =	stream.indirect.scatter.add.f32 [tilespmem:s19], [sflag:$0x4], $0x80, s31, s17, $0xb8;
	[tilespmem:$0x1E800] =	vst v63  }
0x54: {  	_ =	swait.ge [sflag:s23], $0x4000  }
0x55: {  	[sflag:s23] =	ssyncset.done $0x0  }
0x56: {  	[sflag:s23] =	ssyncadd.s32 $0xFFFFC000  }
0x57: {  	[tilespmem:s19], [sflag:$0x2] =	stream.indirect.gather [hbm4b:s6+s17], $0x80, s24, s17, $0xb8;
	[tilespmem:$0x1E800] =	vst v63  }
0x58: {  	_ =	swait.ge [sflag:s15], $0x4000  }
0x59: {  	[sflag:s15] =	ssyncset.done $0x0  }
0x5a: {  	[sflag:s15] =	ssyncadd.s32 $0xFFFFC000  }
0x5b: {  	[spmem:s2] =	stream.indirect.scatter.add.f32 [tilespmem:s18], [sflag:$0x3], $0x80, s25, s17, $0xb8;
	[tilespmem:$0x1E800] =	vst v63  }
0x5c: {  	_ =	swait.ge [sflag:s20], $0x4000  }
0x5d: {  	[sflag:s20] =	ssyncset.done $0x0  }
0x5e: {  	[sflag:s20] =	ssyncadd.s32 $0xFFFFC000  }
0x5f: {  	s29 =	sadd.s32 $0x1, s29;
	_ =	swait.ge [sflag:s16], $0x4000  }
0x60: {  	p0 =	sne.s32 s29, $0x4;
	[sflag:s16] =	ssyncset.done $0x0  }
.Ltmp1:
0x61: {  	[sflag:s16] =	ssyncadd.s32 $0xFFFFC000;
	(pc) =	sbr.rel @p0 .LBB2_2-.Ltmp1, $4  }
0x62: {  	[spmem:s2] =	stream.indirect.scatter.add.f32 [tilespmem:s19], [sflag:$0x4], $0x80, s26, s17, $0xb8;
	[tilespmem:$0x1E800] =	vst v63  }
0x63: {  	_ =	swait.ge [sflag:s23], $0x4000  }
0x64: {  	[sflag:s23] =	ssyncset.done $0x0  }
0x65: {  	[sflag:s23] =	ssyncadd.s32 $0xFFFFC000  }
0x66: {  	s28 =	sadd.s32 $0x1, s28  }
0x67: {  	p0 =	sne.s32 s28, s11  }
.Ltmp2:
0x68: {  	[bflag:$0x0] =	sbarrier.arrive $0xFFFF;
	(pc) =	sbr.rel @p0 .LBB2_1-.Ltmp2, $4  }
0x69: {  	[hbm:s10], [sflag:s8] =	dma.local [spmem:s12], $0x2800  }
0x6a: {  	_ =	swait.ge [sflag:s13], $0x2800  }
0x6b: {  	[sflag:s13] =	ssyncset.done $0x0  }
0x6c: {  	[sflag:s13] =	ssyncadd.s32 $0xFFFFD800  }
0x6d: {  	_ =	sfence.sel $0x180000  }
0x6e: {  	[bflag:$0x0] =	sbarrier.arrive $0xFFFF  }
0x6f: {  	_ =	strace $0x9000004A  }
0x70: {  	[bflag:$0x2] =	sbarrier.arrive $0xFFFF  }
0x71: {  	p0 =	sne.s32 s3, $0x0;
	s0 =	rddreg [dreg:$0x3]  }
0x72: {  	s0 =	sadd.s32 @!p0 $0x100000, s0  }
0x73: {  	[sflag:s0] =	ssyncadd.tile.s32 @!p0 $0x1;
	_ =	shalt  }
.Lfunc_end2:
_tile_overlayer_lowered:
.L_overlay_start_2:
0x74: {  	(tag) =	ssettag $0x2  }
0x75: {  	s0 =	rddreg [dreg:$0x0];
	s2 =	stileid.u32  }
0x76: {  	s1 =	rddreg [dreg:$0x1];
	p0 =	sne.s32 s2, $0x0  }
0x77: {  	s3 =	rddreg [dreg:$0x2];
	[bflag:$0x3] =	sbarrier.arrive $0xFFFF;
	s2 =	simm.s32 @!p0 $0x1C05  }
0x78: {  	[timem:s3], [sflag:s2] =	dma.local @!p0 [hbm:s0], s1  }
0x79: {  	s0 =	simm.s32 @!p0 $0x5  }
0x7a: {  	_ =	swait.ge @!p0 [sflag:s0], s1  }
0x7b: {  	s1 =	ssub.s32 @!p0 $0x0, s1;
	[sflag:s0] =	ssyncset.done @!p0 $0x0  }
0x7c: {  	[sflag:s0] =	ssyncadd.s32 @!p0 s1  }
0x7d: {  	[bflag:$0x3] =	sbarrier.arrive $0xFFFF  }
0x7e: {  	_ =	shalt  }

// kernel: kernel.14.cloned.1.call-start
scs
__scs_entry_jumppad:
0x0: {  	(pc) =	sbr.rel $0x88, $3  }
0x1: {  	(tag) =	ssettag $0x0;
	lr =	simm.s32 $0x1  }
0x2: {  	[smem:$0x3F9B] =	sst lr;
	_ =	strace $0xD0000000  }
0x3: {  	_ = 	snop  }
0x4: {  	_ = 	snop  }
0x5: {  	_ = 	snop  }
0x6: {  	_ = 	snop  }
0x7: {  	_ = 	snop  }
__scs_overlays_trampoline_lowered:
0x8: {  	[smem:$0x3FAA] =	sst s0  }
0x9: {  	[smem:$0x3FAB] =	sst s1  }
0xa: {  	[smem:$0x3FAC] =	sst s2  }
0xb: {  	[smem:$0x3FAD] =	sst s3  }
0xc: {  	[smem:$0x3FAE] =	sst s4  }
0xd: {  	[smem:$0x3FAF] =	sst s5  }
0xe: {  	[smem:$0x3FB0] =	sst s6  }
0xf: {  	[smem:$0x3FB1] =	sst s7  }
0x10: {  	[smem:$0x3FB2] =	sst s8  }
0x11: {  	[smem:$0x3FB3] =	sst s9;
	s0 =	simm.s32 @!p0 $0x0  }
0x12: {  	s1 =	sld [smem:$0x3F99];
	s0 =	simm.s32 @p0 $0x1  }
0x13: {  	[smem:$0x3FB4] =	sst s0;
	s0 =	simm.s32 @!p1 $0x0  }
0x14: {  	s2 =	sld [smem:$0x3F98];
	s0 =	simm.s32 @p1 $0x1  }
0x15: {  	[smem:$0x3FB5] =	sst s0;
	s0 =	simm.s32 @!p2 $0x0  }
0x16: {  	s3 =	sld [smem:$0x3FDB];
	s0 =	simm.s32 @p2 $0x1  }
0x17: {  	s4 =	simm.s32 $0x1BF5;
	[smem:$0x3FB7] =	sst s0  }
0x18: {  	s0 =	sld [smem:$0x3F9A];
	_ =	swait.ge [sflag:s4], $0x0  }
0x19: {  	s7 =	sld [smem:$0x3F9B]  }
0x1a: {  	s8 =	sadd.s32 $0xFFFFE003, lr  }
0x1b: {  	s9 =	sadd.s32 $0xFFFFFEF7, lr;
	s5 =	simm.s32 $0xFFFFFFFF;
	p2 =	slt.u32 s8, $0xFFFFF086  }
0x1c: {  	p1 =	slt.u32 s9, $0xF7A;
	s5 =	simm.s32 @!p2 $0x0  }
0x1d: {  	s5 =	simm.s32 @p1 $0x1;
	p0 =	seq.s32 s7, s2  }
0x1e: {  	s7 =	smul.u32 @!p0 $0xF7A, s2;
	p2 =	seq.s32 @!p0 s5, $0x0  }
0x1f: {  	s9 =	smul.u32 $0xF7A, s1;
	s8 =	simm.s32 @!p0 $0x1BF5;
	p2 =	por !p2, p0  }
0x20: {  	[sflag:s8] =	ssyncset.s32 @!p0 $0xFFFFF086;
	s6 =	sadd.s32 @!p0 s3, s7;
	s7 =	simm.s32 @!p0 $0x108  }
0x21: {  	s3 =	sadd.s32 s3, s9;
	s6 =	sadd.s32 @!p0 $0x88, s6;
	s7 =	simm.s32 @p2 $0x1082  }
0x22: {  	[simem:s7], [sflag:s8] =	dma.local @!p0 [hbm:s6], $0xF7A  }
0x23: {  	s9 =	sor.u32 $0xD0000000, s2;
	s6 =	simm.s32 $0x108;
	_ =	swait.ge @!p0 [sflag:s8], $0x0  }
0x24: {  	s3 =	sadd.s32 $0x88, s3;
	s6 =	simm.s32 @!p1 $0x1082;
	[sflag:s4] =	ssyncset.s32 $0xFFFFF086  }
0x25: {  	[simem:s6], [sflag:s4] =	dma.local [hbm:s3], $0xF7A  }
0x26: {  	[smem:$0x3F9B] =	sst s1;
	(tag) =	ssettag s2;
	_ =	strace s9  }
0x27: {  	s1 =	sld [smem:$0x3FAB]  }
0x28: {  	s2 =	sld [smem:$0x3FAC]  }
0x29: {  	s4 =	sld [smem:$0x3FAE]  }
0x2a: {  	p0 =	seq.s32 s5, $0x0;
	s5 =	sld [smem:$0x3FAF]  }
0x2b: {  	s6 =	sld [smem:$0x3FB0]  }
0x2c: {  	s7 =	sld [smem:$0x3FB1]  }
0x2d: {  	s3 =	simm.s32 $0x108;
	s8 =	sld [smem:$0x3FB2]  }
0x2e: {  	s3 =	simm.s32 @!p0 $0x1082;
	s9 =	sld [smem:$0x3FB3]  }
0x2f: {  	lr =	sadd.s32 s0, s3;
	s0 =	sld [smem:$0x3FAA]  }
0x30: {  	s3 =	sld [smem:$0x3FAD]  }
0x31: {  	[smem:$0x3FB6] =	sst s10  }
0x32: {  	s10 =	sld [smem:$0x3FB4];
	_ =	sdelay $0x3  }
0x33: {  	p0 =	seq.s32 s10, $0x1;
	s10 =	sld [smem:$0x3FB6];
	_ =	sdelay $0x3  }
0x34: {  	[smem:$0x3FB6] =	sst s10  }
0x35: {  	s10 =	sld [smem:$0x3FB5];
	_ =	sdelay $0x3  }
0x36: {  	p1 =	seq.s32 s10, $0x1;
	s10 =	sld [smem:$0x3FB6];
	_ =	sdelay $0x3  }
0x37: {  	[smem:$0x3FB6] =	sst s10  }
0x38: {  	s10 =	sld [smem:$0x3FB7]  }
0x39: {  	_ = 	snop;
	(pc) =	sbr.ind lr, $3  }
0x3a: {  	_ = 	snop  }
0x3b: {  	_ = 	snop  }
0x3c: {  	p2 =	seq.s32 s10, $0x1;
	s10 =	sld [smem:$0x3FB6]  }
0x3d: {  	_ =	shalt  }
0x3e: {  	_ =	shalt  }
0x3f: {  	_ =	shalt  }
0x40: {  	_ =	shalt  }
0x41: {  	_ =	shalt  }
0x42: {  	_ =	shalt  }
0x43: {  	_ =	shalt  }
0x44: {  	_ =	shalt  }
0x45: {  	_ =	shalt  }
0x46: {  	_ =	shalt  }
0x47: {  	_ =	shalt  }
0x48: {  	_ =	shalt  }
0x49: {  	_ =	shalt  }
0x4a: {  	_ =	shalt  }
0x4b: {  	_ =	shalt  }
0x4c: {  	_ =	shalt  }
0x4d: {  	_ =	shalt  }
0x4e: {  	_ =	shalt  }
0x4f: {  	_ =	shalt  }
0x50: {  	_ =	shalt  }
0x51: {  	_ =	shalt  }
0x52: {  	_ =	shalt  }
0x53: {  	_ =	shalt  }
0x54: {  	_ =	shalt  }
0x55: {  	_ =	shalt  }
0x56: {  	_ =	shalt  }
0x57: {  	_ =	shalt  }
0x58: {  	_ =	shalt  }
0x59: {  	_ =	shalt  }
0x5a: {  	_ =	shalt  }
0x5b: {  	_ =	shalt  }
0x5c: {  	_ =	shalt  }
0x5d: {  	_ =	shalt  }
0x5e: {  	_ =	shalt  }
0x5f: {  	_ =	shalt  }
0x60: {  	_ =	shalt  }
0x61: {  	_ =	shalt  }
0x62: {  	_ =	shalt  }
0x63: {  	_ =	shalt  }
0x64: {  	_ =	shalt  }
0x65: {  	_ =	shalt  }
0x66: {  	_ =	shalt  }
0x67: {  	_ =	shalt  }
0x68: {  	_ =	shalt  }
0x69: {  	_ =	shalt  }
0x6a: {  	_ =	shalt  }
0x6b: {  	_ =	shalt  }
0x6c: {  	_ =	shalt  }
0x6d: {  	_ =	shalt  }
0x6e: {  	_ =	shalt  }
0x6f: {  	_ =	shalt  }
0x70: {  	_ =	shalt  }
0x71: {  	_ =	shalt  }
0x72: {  	_ =	shalt  }
0x73: {  	_ =	shalt  }
0x74: {  	_ =	shalt  }
0x75: {  	_ =	shalt  }
0x76: {  	_ =	shalt  }
0x77: {  	_ =	shalt  }
0x78: {  	_ =	shalt  }
0x79: {  	_ =	shalt  }
0x7a: {  	_ =	shalt  }
0x7b: {  	_ =	shalt  }
0x7c: {  	_ =	shalt  }
0x7d: {  	_ =	shalt  }
0x7e: {  	_ =	shalt  }
0x7f: {  	_ =	shalt  }
0x80: {  	_ =	shalt  }
0x81: {  	_ =	shalt  }
0x82: {  	_ =	shalt  }
0x83: {  	_ =	shalt  }
0x84: {  	_ =	shalt  }
0x85: {  	_ =	shalt  }
0x86: {  	_ =	shalt  }
0x87: {  	_ =	shalt  }
.Lfunc_end0:
.L_simem_size_0:
called_computation.2_lowered:
.L_overlay_start_0:
0x88: {  	s2 =	sld [smem:$0x3FD9]  }
0x89: {  	s3 =	sld [smem:$0x3FFE];
	_ =	sdelay $0x1  }
0x8a: {  	s1 =	srdreg.scid  }
0x8b: {  	s0 =	sand.u32 $0x1, s1  }
0x8c: {  	s17 =	sshll.u32 s0, $0xA;
	s2 =	sadd.s32 s3, s2  }
0x8d: {  	s2 =	sadd.s32 s2, s17  }
0x8e: {  	[smem:$0x3FC2] =	sst s2  }
0x8f: {  	_ = 	snop  }
0x90: {  	s2 =	sld [smem:$0x3FD0];
	(tm) =	ssettm $0x1  }
0x91: {  	s18 =	sld [smem:$0x3FFB];
	_ =	sdelay $0x3  }
0x92: {  	_ =	strace s18  }
0x93: {  	s3 =	sld [smem:$0x3FFC];
	_ =	sdelay $0x3  }
0x94: {  	_ =	strace s3  }
0x95: {  	s3 =	sld [smem:$0x3FFD];
	_ =	sdelay $0x3  }
0x96: {  	_ =	strace s3  }
0x97: {  	_ =	strace $0x8FFFFFFF  }
0x98: {  	s19 =	sld [smem:$0x3FDB];
	_ =	sdelay $0x1  }
0x99: {  	s4 =	simm.s32 $_scs_section_size  }
0x9a: {  	s5 =	simm.s32 $_size__tile_overlayer_lowered;
	s6 =	simm.s32 $_tile_overlayer_lowered  }
0x9b: {  	s22 =	simm.s32 $0x1BFF;
	s21 =	sshll.u32 s6, $0x1;
	s3 =	sadd.s32 s4, s19  }
0x9c: {  	s7 =	simm.s32 $0x0;
	s20 =	sshll.u32 s5, $0x1;
	s5 =	sadd.s32 s21, s3  }
0x9d: {  	[timem:s7], [sflag:s22] =	dma.local [hbm:s5], s20  }
0x9e: {  	_ =	swait.ge [sflag:s22], s20  }
0x9f: {  	s4 =	ssub.s32 $0x0, s20;
	[sflag:s22] =	ssyncset.done $0x0  }
0xa0: {  	[sflag:s22] =	ssyncadd.s32 s4;
	_ =	sdelay $0x1  }
0xa1: {  	s23 =	simm.s32 $0x1B8B  }
0xa2: {  	_ =	swait.ge [sflag:s23], $0x1  }
0xa3: {  	[sflag:s23] =	ssyncset.done $0x0  }
0xa4: {  	s25 =	simm.s32 $0x1B8E;
	s24 =	sld [smem:$0x3FFE];
	[sflag:s23] =	ssyncadd.s32 $0xFFFFFFFF  }
0xa5: {  	s26 =	simm.s32 $execute0_lowered;
	[smem:$0x3FD2] =	sst s25  }
0xa6: {  	s5 =	sshll.u32 s26, $0x1;
	_ =	strace $0x8000004C;
	[dreg:$0x1] =	wrdreg $0xFFFFFFFF  }
0xa7: {  	s28 =	simm.s32 $_size_execute0_lowered;
	s3 =	sadd.s32 s3, s5;
	[dreg:$0x0] =	wrdreg $0x0  }
0xa8: {  	s5 =	sshll.u32 s28, $0x1;
	[dreg:$0x2] =	wrdreg s3  }
0xa9: {  	[dreg:$0x3] =	wrdreg s5  }
0xaa: {  	[dreg:$0x4] =	wrdreg $0xC0  }
0xab: {  	_ =	task [dreg:s7], $0x5FFFF  }
0xac: {  	[dreg:$0x1] =	wrdreg $0xFFFFFFFF  }
0xad: {  	[dreg:$0x0] =	wrdreg $0x60  }
0xae: {  	[dreg:$0x2] =	wrdreg s24  }
0xaf: {  	[dreg:$0x3] =	wrdreg s2  }
0xb0: {  	[dreg:$0x4] =	wrdreg $0xA8000  }
0xb1: {  	[dreg:$0x5] =	wrdreg $0x9  }
0xb2: {  	_ =	task.clear_ibuf [dreg:s7], $0x6FFFF;
	_ =	strace $0x9000004C  }
0xb3: {  	s29 =	simm.s32 $0x9;
	_ =	strace $0x8000004E  }
0xb4: {  	_ =	swait.ge [sflag:s29], $0x1  }
0xb5: {  	[sflag:s29] =	ssyncadd.s32 $0xFFFFFFFF  }
0xb6: {  	_ =	strace $0x9000004E  }
0xb7: {  	_ =	sfence  }
0xb8: {  	s30 =	sld [smem:$0x0];
	_ =	sdelay $0x2  }
0xb9: {  	s31 =	sshll.u32 s1, $0xD;
	s1 =	sshrl.u32 s1, $0x2  }
0xba: {  	s3 =	sand.u32 $0x4000, s31;
	s1 =	sadd.s32 s1, s30  }
0xbb: {  	s0 =	sor.u32 s3, s0;
	s1 =	sshll.u32 s1, $0x11  }
0xbc: {  	s0 =	sor.u32 s1, s0  }
0xbd: {  	s0 =	sadd.s32 $0x8F2B, s0  }
0xbe: {  	[sflag:s0] =	ssyncadd.remote.s32 $0x1  }
0xbf: {  	_ =	sfence.sel $0xFFFF  }
0xc0: {  	[dreg:$0x0] =	wrdreg $0xFFFFFFFF;
	(pc) =	sbr.abs _section_cstart, $3  }
0xc1: {  	[dreg:$0x1] =	wrdreg $0xFFFFFFFF  }
0xc2: {  	_ =	task.clear_ibuf [dreg:s7], $0x2FFFF;
	_ =	strace $0x9FFFFFFF  }
0xc3: {  	(tm) =	ssettm $0x7FFFFFFF  }
tec
execute0_lowered:
.L_overlay_start_1:
0x0: {  	(tag) =	ssettag $0x1  }
0x1: {  	s6 =	rddreg [dreg:$0x0]  }
0x2: {  	s2 =	rddreg [dreg:$0x1];
	s1 =	srdreg.scid  }
0x3: {  	s0 =	stileid.u32;
	s3 =	rddreg [dreg:$0x2];
	s4 =	simm.s32 $0x0  }
0x4: {  	s14 =	simm.s32 $0x1400;
	s15 =	simm.s32 $0x1;
	s16 =	simm.s32 $0x2  }
0x5: {  	s17 =	simm.s32 $0x80;
	s18 =	simm.s32 $0x2800;
	s19 =	simm.s32 $0x6800  }
0x6: {  	s20 =	simm.s32 $0x3;
	s21 =	simm.s32 $0x100;
	s22 =	simm.s32 $0x1480  }
0x7: {  	s23 =	simm.s32 $0x4;
	s24 =	simm.s32 $0x1380;
	s7 =	smul.u32 $0x14000, s0  }
0x8: {  	s25 =	simm.s32 $0x2700;
	s26 =	simm.s32 $0x2780;
	s10 =	smul.u32 $0x50, s0  }
0x9: {  	s5 =	sand.u32 $0x1, s1;
	s1 =	rddreg [dreg:$0x3];
	s12 =	smul.u32 $0x50000, s0  }
0xa: {  	s28 =	simm.s32 $0x0;
	[smem:$0x7FF] =	sst s4;
	s8 =	smul.u32 $0x140000, s5  }
0xb: {  	s31 =	sshll.u32 s0, $0x6;
	s9 =	smul.u32 $0x500, s5;
	s11 =	ssub.s32 $0x2, s5  }
0xc: {  	_ =	strace $0x8000004D;
	s5 =	sadd.s32 $0x2A00, s6;
	s29 =	sshrl.u32 s11, $0x1  }
0xd: {  	s30 =	sshrl.u32 s12, $0x2;
	s8 =	sadd.s32 s7, s8;
	s11 =	ssub.s32 s11, s29  }
0xe: {  	s12 =	sadd.s32 s30, s3;
	s7 =	sshrl.u32 s7, $0x3;
	s8 =	sshrl.u32 s8, $0x3  }
0xf: {  	s7 =	sadd.s32 s5, s7;
	s11 =	smax.u32 s11, $0x1;
	s12 =	sshrl.u32 s12, $0x3  }
0x10: {  	s13 =	sadd.s32 s8, s6;
	s6 =	sadd.s32 s10, s9;
	s8 =	sor.u32 $0x1C05, s31  }
0x11: {  	s9 =	sadd.s32 $0xA000, s2;
	s10 =	sadd.s32 $0x2AA00, s13;
	s13 =	simm.s32 $0x5  }
.LBB2_1:
0x12: {  	[spmem:s12], [sflag:s8] =	dma.local [hbm:s7], $0x2800  }
0x13: {  	_ =	swait.ge [sflag:s13], $0x2800  }
0x14: {  	[sflag:s13] =	ssyncset.done $0x0  }
0x15: {  	[sflag:s13] =	ssyncadd.s32 $0xFFFFD800  }
0x16: {  	p1 =	por $0x1, $0x1;
	s29 =	simm.s32 $0x0;
	[bflag:$0x0] =	sbarrier.arrive $0xFFFF  }
.LBB2_2:
0x17: {  	s29 =	sadd.s32 s29, s6  }
0x18: {  	s29 =	sshll.u32 s29, $0x4  }
0x19: {  	s30 =	sadd.s32 s2, s29  }
0x1a: {  	[tilespmem:s4], [sflag:$0x1] =	stream.linear.gather [hbm4b:s30+s4], $0x1400, $0x38;
	[tilespmem:$0x1E800] =	vst v63  }
0x1b: {  	s29 =	sadd.s32 s29, s9  }
0x1c: {  	[tilespmem:s14], [sflag:$0x2] =	stream.linear.gather [hbm4b:s29+s4], $0x1400, $0x38;
	[tilespmem:$0x1E800] =	vst v63  }
0x1d: {  	_ =	swait.ge [sflag:s15], $0x1400  }
0x1e: {  	[sflag:s15] =	ssyncset.done $0x0  }
0x1f: {  	[sflag:s15] =	ssyncadd.s32 $0xFFFFEC00  }
0x20: {  	_ =	swait.ge [sflag:s16], $0x1400  }
0x21: {  	[sflag:s16] =	ssyncset.done $0x0  }
0x22: {  	[sflag:s16] =	ssyncadd.s32 $0xFFFFEC00  }
0x23: {  	[tilespmem:s18], [sflag:$0x1] =	stream.indirect.gather [hbm4b:s5+s17], $0x80, s4, s17, $0xb8;
	[tilespmem:$0x1E800] =	vst v63  }
0x24: {  	_ = 	snop  }
0x25: {  	[tilespmem:s19], [sflag:$0x2] =	stream.indirect.gather [hbm4b:s5+s17], $0x80, s17, s17, $0xb8;
	[tilespmem:$0x1E800] =	vst v63  }
0x26: {  	_ =	swait.ge [sflag:s15], $0x4000  }
0x27: {  	[sflag:s15] =	ssyncset.done $0x0  }
0x28: {  	[sflag:s15] =	ssyncadd.s32 $0xFFFFC000  }
0x29: {  	[spmem:s3] =	stream.indirect.scatter.add.f32 [tilespmem:s18], [sflag:$0x3], $0x80, s14, s17, $0xb8;
	[tilespmem:$0x1E800] =	vst v63  }
0x2a: {  	_ =	swait.ge [sflag:s20], $0x4000  }
0x2b: {  	[sflag:s20] =	ssyncset.done $0x0  }
0x2c: {  	[sflag:s20] =	ssyncadd.s32 $0xFFFFC000  }
0x2d: {  	[tilespmem:s18], [sflag:$0x1] =	stream.indirect.gather [hbm4b:s5+s17], $0x80, s21, s17, $0xb8;
	[tilespmem:$0x1E800] =	vst v63  }
0x2e: {  	_ =	swait.ge [sflag:s16], $0x4000  }
0x2f: {  	[sflag:s16] =	ssyncset.done $0x0  }
0x30: {  	[sflag:s16] =	ssyncadd.s32 $0xFFFFC000  }
0x31: {  	[spmem:s3] =	stream.indirect.scatter.add.f32 [tilespmem:s19], [sflag:$0x4], $0x80, s22, s17, $0xb8;
	[tilespmem:$0x1E800] =	vst v63  }
0x32: {  	_ =	swait.ge [sflag:s23], $0x4000  }
0x33: {  	[sflag:s23] =	ssyncset.done $0x0  }
0x34: {  	s29 =	simm.s32 $0x180;
	[sflag:s23] =	ssyncadd.s32 $0xFFFFC000  }
0x35: {  	[tilespmem:s19], [sflag:$0x2] =	stream.indirect.gather [hbm4b:s5+s17], $0x80, s29, s17, $0xb8;
	[tilespmem:$0x1E800] =	vst v63  }
0x36: {  	_ =	swait.ge [sflag:s15], $0x4000  }
0x37: {  	[sflag:s15] =	ssyncset.done $0x0  }
0x38: {  	s29 =	simm.s32 $0x1500;
	[sflag:s15] =	ssyncadd.s32 $0xFFFFC000  }
0x39: {  	[spmem:s3] =	stream.indirect.scatter.add.f32 [tilespmem:s18], [sflag:$0x3], $0x80, s29, s17, $0xb8;
	[tilespmem:$0x1E800] =	vst v63  }
0x3a: {  	_ =	swait.ge [sflag:s20], $0x4000  }
0x3b: {  	[sflag:s20] =	ssyncset.done $0x0  }
0x3c: {  	s29 =	simm.s32 $0x200;
	[sflag:s20] =	ssyncadd.s32 $0xFFFFC000  }
0x3d: {  	[tilespmem:s18], [sflag:$0x1] =	stream.indirect.gather [hbm4b:s5+s17], $0x80, s29, s17, $0xb8;
	[tilespmem:$0x1E800] =	vst v63  }
0x3e: {  	_ =	swait.ge [sflag:s16], $0x4000  }
0x3f: {  	p0 =	por p1, p1;
	[sflag:s16] =	ssyncset.done $0x0  }
0x40: {  	s30 =	simm.s32 $0x1580;
	s29 =	simm.s32 $0xFFFFBC00;
	[sflag:s16] =	ssyncadd.s32 $0xFFFFC000  }
.LBB2_3:
0x41: {  	[spmem:s3] =	stream.indirect.scatter.add.f32 [tilespmem:s19], [sflag:$0x4], $0x80, s30, s17, $0xb8;
	[tilespmem:$0x1E800] =	vst v63  }
0x42: {  	s30 =	smov.u32 s29  }
0x43: {  	p1 =	sne.s32 s29, $0xFFFFFC00;
	s29 =	sadd.s32 $0x400, s29;
	_ =	swait.ge [sflag:s23], $0x4000  }
0x44: {  	s30 =	sshra.s32 s30, $0x2;
	[sflag:s23] =	ssyncset.done $0x0  }
0x45: {  	s31 =	sadd.s32 $0x1380, s30;
	[sflag:s23] =	ssyncadd.s32 $0xFFFFC000  }
0x46: {  	[tilespmem:s19], [sflag:$0x2] =	stream.indirect.gather [hbm4b:s5+s17], $0x80, s31, s17, $0xb8;
	[tilespmem:$0x1E800] =	vst v63  }
0x47: {  	_ =	swait.ge [sflag:s15], $0x4000  }
0x48: {  	[sflag:s15] =	ssyncset.done $0x0  }
0x49: {  	s31 =	sadd.s32 $0x2700, s30;
	[sflag:s15] =	ssyncadd.s32 $0xFFFFC000  }
0x4a: {  	[spmem:s3] =	stream.indirect.scatter.add.f32 [tilespmem:s18], [sflag:$0x3], $0x80, s31, s17, $0xb8;
	[tilespmem:$0x1E800] =	vst v63  }
0x4b: {  	_ =	swait.ge [sflag:s20], $0x4000  }
0x4c: {  	[sflag:s20] =	ssyncset.done $0x0  }
.Ltmp0:
0x4d: {  	s31 =	sadd.s32 $0x1400, s30;
	[sflag:s20] =	ssyncadd.s32 $0xFFFFC000;
	(pc) =	sbr.rel @p1 .LBB2_3-.Ltmp0, $4  }
0x4e: {  	[tilespmem:s18], [sflag:$0x1] =	stream.indirect.gather [hbm4b:s5+s17], $0x80, s31, s17, $0xb8;
	[tilespmem:$0x1E800] =	vst v63  }
0x4f: {  	_ =	swait.ge [sflag:s16], $0x4000  }
0x50: {  	[sflag:s16] =	ssyncset.done $0x0  }
0x51: {  	s30 =	sadd.s32 $0x2780, s30;
	[sflag:s16] =	ssyncadd.s32 $0xFFFFC000  }
0x52: {  	[spmem:s3] =	stream.indirect.scatter.add.f32 [tilespmem:s19], [sflag:$0x4], $0x80, s30, s17, $0xb8;
	[tilespmem:$0x1E800] =	vst v63  }
0x53: {  	_ =	swait.ge [sflag:s23], $0x4000  }
0x54: {  	[sflag:s23] =	ssyncset.done $0x0  }
0x55: {  	[sflag:s23] =	ssyncadd.s32 $0xFFFFC000  }
0x56: {  	[tilespmem:s19], [sflag:$0x2] =	stream.indirect.gather [hbm4b:s5+s17], $0x80, s24, s17, $0xb8;
	[tilespmem:$0x1E800] =	vst v63  }
0x57: {  	_ =	swait.ge [sflag:s15], $0x4000  }
0x58: {  	[sflag:s15] =	ssyncset.done $0x0  }
0x59: {  	[sflag:s15] =	ssyncadd.s32 $0xFFFFC000  }
0x5a: {  	[spmem:s3] =	stream.indirect.scatter.add.f32 [tilespmem:s18], [sflag:$0x3], $0x80, s25, s17, $0xb8;
	[tilespmem:$0x1E800] =	vst v63  }
0x5b: {  	_ =	swait.ge [sflag:s20], $0x4000  }
0x5c: {  	[sflag:s20] =	ssyncset.done $0x0  }
0x5d: {  	[sflag:s20] =	ssyncadd.s32 $0xFFFFC000  }
0x5e: {  	_ =	swait.ge [sflag:s16], $0x4000  }
0x5f: {  	[sflag:s16] =	ssyncset.done $0x0  }
.Ltmp1:
0x60: {  	[sflag:s16] =	ssyncadd.s32 $0xFFFFC000;
	(pc) =	sbr.rel @p0 .LBB2_2-.Ltmp1, $4  }
0x61: {  	[spmem:s3] =	stream.indirect.scatter.add.f32 [tilespmem:s19], [sflag:$0x4], $0x80, s26, s17, $0xb8;
	[tilespmem:$0x1E800] =	vst v63  }
0x62: {  	_ =	swait.ge [sflag:s23], $0x4000  }
0x63: {  	[sflag:s23] =	ssyncset.done $0x0  }
0x64: {  	s29 =	simm.s32 $0x28;
	p1 =	por $0x0, $0x0;
	[sflag:s23] =	ssyncadd.s32 $0xFFFFC000  }
0x65: {  	s28 =	sadd.s32 $0x1, s28  }
0x66: {  	p0 =	sne.s32 s28, s11  }
.Ltmp2:
0x67: {  	[bflag:$0x0] =	sbarrier.arrive $0xFFFF;
	(pc) =	sbr.rel @p0 .LBB2_1-.Ltmp2, $4  }
0x68: {  	[hbm:s10], [sflag:s8] =	dma.local [spmem:s12], $0x2800  }
0x69: {  	_ =	swait.ge [sflag:s13], $0x2800  }
0x6a: {  	[sflag:s13] =	ssyncset.done $0x0  }
0x6b: {  	[sflag:s13] =	ssyncadd.s32 $0xFFFFD800  }
0x6c: {  	_ =	sfence.sel $0x180000  }
0x6d: {  	[bflag:$0x0] =	sbarrier.arrive $0xFFFF  }
0x6e: {  	p0 =	sne.s32 s0, $0x0;
	_ =	strace $0x9000004D  }
0x6f: {  	s0 =	sadd.s32 @!p0 $0x100000, s1;
	[bflag:$0x2] =	sbarrier.arrive $0xFFFF  }
0x70: {  	[sflag:s0] =	ssyncadd.tile.s32 @!p0 $0x1;
	_ =	shalt  }
.Lfunc_end2:
_tile_overlayer_lowered:
.L_overlay_start_2:
0x71: {  	(tag) =	ssettag $0x2  }
0x72: {  	s0 =	rddreg [dreg:$0x0];
	s2 =	stileid.u32  }
0x73: {  	s1 =	rddreg [dreg:$0x1];
	p0 =	sne.s32 s2, $0x0  }
0x74: {  	s3 =	rddreg [dreg:$0x2];
	[bflag:$0x3] =	sbarrier.arrive $0xFFFF;
	s2 =	simm.s32 @!p0 $0x1C05  }
0x75: {  	[timem:s3], [sflag:s2] =	dma.local @!p0 [hbm:s0], s1  }
0x76: {  	s0 =	simm.s32 @!p0 $0x5  }
0x77: {  	_ =	swait.ge @!p0 [sflag:s0], s1  }
0x78: {  	s1 =	ssub.s32 @!p0 $0x0, s1;
	[sflag:s0] =	ssyncset.done @!p0 $0x0  }
0x79: {  	[sflag:s0] =	ssyncadd.s32 @!p0 s1  }
0x7a: {  	[bflag:$0x3] =	sbarrier.arrive $0xFFFF  }
0x7b: {  	_ =	shalt  }

// kernel: kernel.8.cloned.1.call-start
scs
__scs_entry_jumppad:
0x0: {  	(pc) =	sbr.rel $0x88, $3  }
0x1: {  	(tag) =	ssettag $0x0;
	lr =	simm.s32 $0x1  }
0x2: {  	[smem:$0x3F9B] =	sst lr;
	_ =	strace $0xD0000000  }
0x3: {  	_ = 	snop  }
0x4: {  	_ = 	snop  }
0x5: {  	_ = 	snop  }
0x6: {  	_ = 	snop  }
0x7: {  	_ = 	snop  }
__scs_overlays_trampoline_lowered:
0x8: {  	[smem:$0x3FAA] =	sst s0  }
0x9: {  	[smem:$0x3FAB] =	sst s1  }
0xa: {  	[smem:$0x3FAC] =	sst s2  }
0xb: {  	[smem:$0x3FAD] =	sst s3  }
0xc: {  	[smem:$0x3FAE] =	sst s4  }
0xd: {  	[smem:$0x3FAF] =	sst s5  }
0xe: {  	[smem:$0x3FB0] =	sst s6  }
0xf: {  	[smem:$0x3FB1] =	sst s7  }
0x10: {  	[smem:$0x3FB2] =	sst s8  }
0x11: {  	[smem:$0x3FB3] =	sst s9;
	s0 =	simm.s32 @!p0 $0x0  }
0x12: {  	s1 =	sld [smem:$0x3F99];
	s0 =	simm.s32 @p0 $0x1  }
0x13: {  	[smem:$0x3FB4] =	sst s0;
	s0 =	simm.s32 @!p1 $0x0  }
0x14: {  	s2 =	sld [smem:$0x3F98];
	s0 =	simm.s32 @p1 $0x1  }
0x15: {  	[smem:$0x3FB5] =	sst s0;
	s0 =	simm.s32 @!p2 $0x0  }
0x16: {  	s3 =	sld [smem:$0x3FDB];
	s0 =	simm.s32 @p2 $0x1  }
0x17: {  	s4 =	simm.s32 $0x1BF5;
	[smem:$0x3FB7] =	sst s0  }
0x18: {  	s0 =	sld [smem:$0x3F9A];
	_ =	swait.ge [sflag:s4], $0x0  }
0x19: {  	s7 =	sld [smem:$0x3F9B]  }
0x1a: {  	s8 =	sadd.s32 $0xFFFFE003, lr  }
0x1b: {  	s9 =	sadd.s32 $0xFFFFFEF7, lr;
	s5 =	simm.s32 $0xFFFFFFFF;
	p2 =	slt.u32 s8, $0xFFFFF086  }
0x1c: {  	p1 =	slt.u32 s9, $0xF7A;
	s5 =	simm.s32 @!p2 $0x0  }
0x1d: {  	s5 =	simm.s32 @p1 $0x1;
	p0 =	seq.s32 s7, s2  }
0x1e: {  	s7 =	smul.u32 @!p0 $0xF7A, s2;
	p2 =	seq.s32 @!p0 s5, $0x0  }
0x1f: {  	s9 =	smul.u32 $0xF7A, s1;
	s8 =	simm.s32 @!p0 $0x1BF5;
	p2 =	por !p2, p0  }
0x20: {  	[sflag:s8] =	ssyncset.s32 @!p0 $0xFFFFF086;
	s6 =	sadd.s32 @!p0 s3, s7;
	s7 =	simm.s32 @!p0 $0x108  }
0x21: {  	s3 =	sadd.s32 s3, s9;
	s6 =	sadd.s32 @!p0 $0x88, s6;
	s7 =	simm.s32 @p2 $0x1082  }
0x22: {  	[simem:s7], [sflag:s8] =	dma.local @!p0 [hbm:s6], $0xF7A  }
0x23: {  	s9 =	sor.u32 $0xD0000000, s2;
	s6 =	simm.s32 $0x108;
	_ =	swait.ge @!p0 [sflag:s8], $0x0  }
0x24: {  	s3 =	sadd.s32 $0x88, s3;
	s6 =	simm.s32 @!p1 $0x1082;
	[sflag:s4] =	ssyncset.s32 $0xFFFFF086  }
0x25: {  	[simem:s6], [sflag:s4] =	dma.local [hbm:s3], $0xF7A  }
0x26: {  	[smem:$0x3F9B] =	sst s1;
	(tag) =	ssettag s2;
	_ =	strace s9  }
0x27: {  	s1 =	sld [smem:$0x3FAB]  }
0x28: {  	s2 =	sld [smem:$0x3FAC]  }
0x29: {  	s4 =	sld [smem:$0x3FAE]  }
0x2a: {  	p0 =	seq.s32 s5, $0x0;
	s5 =	sld [smem:$0x3FAF]  }
0x2b: {  	s6 =	sld [smem:$0x3FB0]  }
0x2c: {  	s7 =	sld [smem:$0x3FB1]  }
0x2d: {  	s3 =	simm.s32 $0x108;
	s8 =	sld [smem:$0x3FB2]  }
0x2e: {  	s3 =	simm.s32 @!p0 $0x1082;
	s9 =	sld [smem:$0x3FB3]  }
0x2f: {  	lr =	sadd.s32 s0, s3;
	s0 =	sld [smem:$0x3FAA]  }
0x30: {  	s3 =	sld [smem:$0x3FAD]  }
0x31: {  	[smem:$0x3FB6] =	sst s10  }
0x32: {  	s10 =	sld [smem:$0x3FB4];
	_ =	sdelay $0x3  }
0x33: {  	p0 =	seq.s32 s10, $0x1;
	s10 =	sld [smem:$0x3FB6];
	_ =	sdelay $0x3  }
0x34: {  	[smem:$0x3FB6] =	sst s10  }
0x35: {  	s10 =	sld [smem:$0x3FB5];
	_ =	sdelay $0x3  }
0x36: {  	p1 =	seq.s32 s10, $0x1;
	s10 =	sld [smem:$0x3FB6];
	_ =	sdelay $0x3  }
0x37: {  	[smem:$0x3FB6] =	sst s10  }
0x38: {  	s10 =	sld [smem:$0x3FB7]  }
0x39: {  	_ = 	snop;
	(pc) =	sbr.ind lr, $3  }
0x3a: {  	_ = 	snop  }
0x3b: {  	_ = 	snop  }
0x3c: {  	p2 =	seq.s32 s10, $0x1;
	s10 =	sld [smem:$0x3FB6]  }
0x3d: {  	_ =	shalt  }
0x3e: {  	_ =	shalt  }
0x3f: {  	_ =	shalt  }
0x40: {  	_ =	shalt  }
0x41: {  	_ =	shalt  }
0x42: {  	_ =	shalt  }
0x43: {  	_ =	shalt  }
0x44: {  	_ =	shalt  }
0x45: {  	_ =	shalt  }
0x46: {  	_ =	shalt  }
0x47: {  	_ =	shalt  }
0x48: {  	_ =	shalt  }
0x49: {  	_ =	shalt  }
0x4a: {  	_ =	shalt  }
0x4b: {  	_ =	shalt  }
0x4c: {  	_ =	shalt  }
0x4d: {  	_ =	shalt  }
0x4e: {  	_ =	shalt  }
0x4f: {  	_ =	shalt  }
0x50: {  	_ =	shalt  }
0x51: {  	_ =	shalt  }
0x52: {  	_ =	shalt  }
0x53: {  	_ =	shalt  }
0x54: {  	_ =	shalt  }
0x55: {  	_ =	shalt  }
0x56: {  	_ =	shalt  }
0x57: {  	_ =	shalt  }
0x58: {  	_ =	shalt  }
0x59: {  	_ =	shalt  }
0x5a: {  	_ =	shalt  }
0x5b: {  	_ =	shalt  }
0x5c: {  	_ =	shalt  }
0x5d: {  	_ =	shalt  }
0x5e: {  	_ =	shalt  }
0x5f: {  	_ =	shalt  }
0x60: {  	_ =	shalt  }
0x61: {  	_ =	shalt  }
0x62: {  	_ =	shalt  }
0x63: {  	_ =	shalt  }
0x64: {  	_ =	shalt  }
0x65: {  	_ =	shalt  }
0x66: {  	_ =	shalt  }
0x67: {  	_ =	shalt  }
0x68: {  	_ =	shalt  }
0x69: {  	_ =	shalt  }
0x6a: {  	_ =	shalt  }
0x6b: {  	_ =	shalt  }
0x6c: {  	_ =	shalt  }
0x6d: {  	_ =	shalt  }
0x6e: {  	_ =	shalt  }
0x6f: {  	_ =	shalt  }
0x70: {  	_ =	shalt  }
0x71: {  	_ =	shalt  }
0x72: {  	_ =	shalt  }
0x73: {  	_ =	shalt  }
0x74: {  	_ =	shalt  }
0x75: {  	_ =	shalt  }
0x76: {  	_ =	shalt  }
0x77: {  	_ =	shalt  }
0x78: {  	_ =	shalt  }
0x79: {  	_ =	shalt  }
0x7a: {  	_ =	shalt  }
0x7b: {  	_ =	shalt  }
0x7c: {  	_ =	shalt  }
0x7d: {  	_ =	shalt  }
0x7e: {  	_ =	shalt  }
0x7f: {  	_ =	shalt  }
0x80: {  	_ =	shalt  }
0x81: {  	_ =	shalt  }
0x82: {  	_ =	shalt  }
0x83: {  	_ =	shalt  }
0x84: {  	_ =	shalt  }
0x85: {  	_ =	shalt  }
0x86: {  	_ =	shalt  }
0x87: {  	_ =	shalt  }
.Lfunc_end0:
.L_simem_size_0:
called_computation_lowered:
.L_overlay_start_0:
0x88: {  	s2 =	sld [smem:$0x3FD9]  }
0x89: {  	s3 =	sld [smem:$0x3FFE];
	_ =	sdelay $0x1  }
0x8a: {  	s1 =	srdreg.scid  }
0x8b: {  	s0 =	sand.u32 $0x1, s1  }
0x8c: {  	s17 =	sshll.u32 s0, $0xA;
	s2 =	sadd.s32 s3, s2  }
0x8d: {  	s2 =	sadd.s32 s2, s17  }
0x8e: {  	[smem:$0x3FC2] =	sst s2  }
0x8f: {  	_ = 	snop  }
0x90: {  	s2 =	sld [smem:$0x3FD0];
	(tm) =	ssettm $0x1  }
0x91: {  	s18 =	sld [smem:$0x3FFB];
	_ =	sdelay $0x3  }
0x92: {  	_ =	strace s18  }
0x93: {  	s3 =	sld [smem:$0x3FFC];
	_ =	sdelay $0x3  }
0x94: {  	_ =	strace s3  }
0x95: {  	s3 =	sld [smem:$0x3FFD];
	_ =	sdelay $0x3  }
0x96: {  	_ =	strace s3  }
0x97: {  	_ =	strace $0x8FFFFFFF  }
0x98: {  	s19 =	sld [smem:$0x3FDB];
	_ =	sdelay $0x1  }
0x99: {  	s4 =	simm.s32 $_scs_section_size  }
0x9a: {  	s5 =	simm.s32 $_size__tile_overlayer_lowered;
	s6 =	simm.s32 $_tile_overlayer_lowered  }
0x9b: {  	s22 =	simm.s32 $0x1BFF;
	s21 =	sshll.u32 s6, $0x1;
	s3 =	sadd.s32 s4, s19  }
0x9c: {  	s7 =	simm.s32 $0x0;
	s20 =	sshll.u32 s5, $0x1;
	s5 =	sadd.s32 s21, s3  }
0x9d: {  	[timem:s7], [sflag:s22] =	dma.local [hbm:s5], s20  }
0x9e: {  	_ =	swait.ge [sflag:s22], s20  }
0x9f: {  	s4 =	ssub.s32 $0x0, s20;
	[sflag:s22] =	ssyncset.done $0x0  }
0xa0: {  	[sflag:s22] =	ssyncadd.s32 s4;
	_ =	sdelay $0x1  }
0xa1: {  	s23 =	simm.s32 $0x1B8B  }
0xa2: {  	_ =	swait.ge [sflag:s23], $0x1  }
0xa3: {  	[sflag:s23] =	ssyncset.done $0x0  }
0xa4: {  	s25 =	simm.s32 $0x1B8E;
	s24 =	sld [smem:$0x3FFE];
	[sflag:s23] =	ssyncadd.s32 $0xFFFFFFFF  }
0xa5: {  	s26 =	simm.s32 $execute0_lowered;
	[smem:$0x3FD2] =	sst s25  }
0xa6: {  	s5 =	sshll.u32 s26, $0x1;
	_ =	strace $0x80000046;
	[dreg:$0x1] =	wrdreg $0xFFFFFFFF  }
0xa7: {  	s28 =	simm.s32 $_size_execute0_lowered;
	s3 =	sadd.s32 s3, s5;
	[dreg:$0x0] =	wrdreg $0x0  }
0xa8: {  	s5 =	sshll.u32 s28, $0x1;
	[dreg:$0x2] =	wrdreg s3  }
0xa9: {  	[dreg:$0x3] =	wrdreg s5  }
0xaa: {  	[dreg:$0x4] =	wrdreg $0xC0  }
0xab: {  	_ =	task [dreg:s7], $0x5FFFF  }
0xac: {  	[dreg:$0x1] =	wrdreg $0xFFFFFFFF  }
0xad: {  	[dreg:$0x0] =	wrdreg $0x60  }
0xae: {  	[dreg:$0x2] =	wrdreg s2  }
0xaf: {  	[dreg:$0x3] =	wrdreg s24  }
0xb0: {  	[dreg:$0x4] =	wrdreg $0x2B000  }
0xb1: {  	[dreg:$0x5] =	wrdreg $0x9  }
0xb2: {  	_ =	task.clear_ibuf [dreg:s7], $0x6FFFF;
	_ =	strace $0x90000046  }
0xb3: {  	s29 =	simm.s32 $0x9;
	_ =	strace $0x80000048  }
0xb4: {  	_ =	swait.ge [sflag:s29], $0x1  }
0xb5: {  	[sflag:s29] =	ssyncadd.s32 $0xFFFFFFFF  }
0xb6: {  	_ =	strace $0x90000048  }
0xb7: {  	_ =	sfence  }
0xb8: {  	s30 =	sld [smem:$0x0];
	_ =	sdelay $0x2  }
0xb9: {  	s31 =	sshll.u32 s1, $0xD;
	s1 =	sshrl.u32 s1, $0x2  }
0xba: {  	s3 =	sand.u32 $0x4000, s31;
	s1 =	sadd.s32 s1, s30  }
0xbb: {  	s0 =	sor.u32 s3, s0;
	s1 =	sshll.u32 s1, $0x11  }
0xbc: {  	s0 =	sor.u32 s1, s0  }
0xbd: {  	s0 =	sadd.s32 $0x8F2B, s0  }
0xbe: {  	[sflag:s0] =	ssyncadd.remote.s32 $0x1  }
0xbf: {  	_ =	sfence.sel $0xFFFF  }
0xc0: {  	[dreg:$0x0] =	wrdreg $0xFFFFFFFF;
	(pc) =	sbr.abs _section_cstart, $3  }
0xc1: {  	[dreg:$0x1] =	wrdreg $0xFFFFFFFF  }
0xc2: {  	_ =	task.clear_ibuf [dreg:s7], $0x2FFFF;
	_ =	strace $0x9FFFFFFF  }
0xc3: {  	(tm) =	ssettm $0x7FFFFFFF  }
tec
execute0_lowered:
.L_overlay_start_1:
0x0: {  	(tag) =	ssettag $0x1  }
0x1: {  	s4 =	rddreg [dreg:$0x0]  }
0x2: {  	s5 =	rddreg [dreg:$0x1]  }
0x3: {  	s2 =	rddreg [dreg:$0x2];
	s3 =	srdreg.scid  }
0x4: {  	s0 =	rddreg [dreg:$0x3];
	s1 =	stileid.u32;
	s11 =	simm.s32 $0x2800  }
0x5: {  	s12 =	simm.s32 $0x1;
	s15 =	simm.s32 $0x20;
	s16 =	simm.s32 $0x10  }
0x6: {  	s17 =	simm.s32 $0x0;
	s6 =	sand.u32 $0x1, s3;
	s7 =	smul.u32 $0x500, s1  }
0x7: {  	s3 =	simm.s32 $0x0;
	s28 =	smul.u32 $0xA00, s1;
	s13 =	sshll.u32 s1, $0x6  }
0x8: {  	s8 =	sshll.u32 s6, $0x4;
	[smem:$0x7FF] =	sst s3;
	s9 =	sshll.u32 s6, $0x7  }
0x9: {  	s6 =	ssub.s32 $0x2, s6;
	s13 =	sor.u32 $0x1C02, s13;
	s8 =	sor.u32 s1, s8  }
0xa: {  	_ =	strace $0x80000047;
	s7 =	sor.u32 s9, s7;
	s29 =	sshrl.u32 s6, $0x1  }
0xb: {  	s30 =	sshrl.u32 s28, $0x2;
	s8 =	smul.u32 $0x2800, s8;
	s7 =	sshrl.u32 s7, $0x3  }
0xc: {  	s9 =	simm.s32 $0x2;
	s10 =	ssub.s32 s6, s29;
	s7 =	sadd.s32 s7, s5  }
0xd: {  	s8 =	sshrl.u32 s8, $0x3;
	s6 =	sadd.s32 $0x2A00, s7;
	s7 =	smax.u32 s10, $0x1  }
0xe: {  	s10 =	simm.s32 $0x80;
	s31 =	sadd.s32 s4, s8;
	s4 =	sadd.s32 s30, s2  }
0xf: {  	v0 =	vimm.f32 $1.000000000e+00;
	v1 =	vimm.f32 $0.0e+00;
	s8 =	simm.s32 $0x2880;
	s5 =	sadd.s32 $0xA000, s31;
	s14 =	sshrl.u32 s4, $0x3  }
.LBB2_1:
0x10: {  	[tilespmem:$0x2800] =	vst v0  }
0x11: {  	[tilespmem:$0x2810] =	vst v0  }
0x12: {  	[tilespmem:$0x2820] =	vst v0  }
0x13: {  	[tilespmem:$0x2830] =	vst v0  }
0x14: {  	[tilespmem:$0x2840] =	vst v0  }
0x15: {  	[tilespmem:$0x2850] =	vst v0  }
0x16: {  	[tilespmem:$0x2860] =	vst v0  }
0x17: {  	[tilespmem:$0x2870] =	vst v0  }
0x18: {  	[tilespmem:$0x2880] =	vst v1  }
0x19: {  	[tilespmem:$0x2890] =	vst v1  }
0x1a: {  	[tilespmem:$0x28A0] =	vst v1  }
0x1b: {  	[tilespmem:$0x28B0] =	vst v1  }
0x1c: {  	[tilespmem:$0x28C0] =	vst v1  }
0x1d: {  	[tilespmem:$0x28D0] =	vst v1  }
0x1e: {  	[tilespmem:$0x28E0] =	vst v1  }
0x1f: {  	[tilespmem:$0x28F0] =	vst v1  }
0x20: {  	[tilespmem:$0x2900] =	vst v1  }
0x21: {  	[tilespmem:$0x2910] =	vst v1  }
0x22: {  	[tilespmem:$0x2920] =	vst v1  }
0x23: {  	[tilespmem:$0x2930] =	vst v1  }
0x24: {  	[tilespmem:$0x2940] =	vst v1  }
0x25: {  	[tilespmem:$0x2950] =	vst v1  }
0x26: {  	[tilespmem:$0x2960] =	vst v1  }
0x27: {  	[tilespmem:$0x2970] =	vst v1  }
0x28: {  	[tilespmem:$0x2980] =	vst v1  }
0x29: {  	[tilespmem:$0x2990] =	vst v1  }
0x2a: {  	[tilespmem:$0x29A0] =	vst v1  }
0x2b: {  	[tilespmem:$0x29B0] =	vst v1  }
0x2c: {  	[tilespmem:$0x29C0] =	vst v1  }
0x2d: {  	[tilespmem:$0x29D0] =	vst v1  }
0x2e: {  	[tilespmem:$0x29E0] =	vst v1  }
0x2f: {  	[tilespmem:$0x29F0] =	vst v1  }
0x30: {  	[tilespmem:$0x2A00] =	vst v1  }
0x31: {  	[tilespmem:$0x2A10] =	vst v1  }
0x32: {  	[tilespmem:$0x2A20] =	vst v1  }
0x33: {  	[tilespmem:$0x2A30] =	vst v1  }
0x34: {  	[tilespmem:$0x2A40] =	vst v1  }
0x35: {  	[tilespmem:$0x2A50] =	vst v1  }
0x36: {  	[tilespmem:$0x2A60] =	vst v1  }
0x37: {  	[tilespmem:$0x2A70] =	vst v1  }
0x38: {  	[tilespmem:$0x2A80] =	vst v1  }
0x39: {  	[tilespmem:$0x2A90] =	vst v1  }
0x3a: {  	[tilespmem:$0x2AA0] =	vst v1  }
0x3b: {  	[tilespmem:$0x2AB0] =	vst v1  }
0x3c: {  	[tilespmem:$0x2AC0] =	vst v1  }
0x3d: {  	[tilespmem:$0x2AD0] =	vst v1  }
0x3e: {  	[tilespmem:$0x2AE0] =	vst v1  }
0x3f: {  	[tilespmem:$0x2AF0] =	vst v1  }
0x40: {  	[spmem:s4] =	stream.linear.scatter [tilespmem:s8], [sflag:$0x2], $0x280, $0x38;
	[tilespmem:$0x2D80] =	vst v63  }
0x41: {  	_ =	swait.ge [sflag:s9], $0x280  }
0x42: {  	[sflag:s9] =	ssyncset.done $0x0  }
0x43: {  	[sflag:s9] =	ssyncadd.s32 $0xFFFFFD80  }
0x44: {  	[tilespmem:s3], [sflag:$0x2] =	stream.linear.gather [hbm4b:s5+s3], $0x2800, $0x38;
	[tilespmem:$0x2D80] =	vst v63  }
0x45: {  	_ =	swait.ge [sflag:s9], $0x2800  }
0x46: {  	[sflag:s9] =	ssyncset.done $0x0  }
0x47: {  	[sflag:s9] =	ssyncadd.s32 $0xFFFFD800  }
0x48: {  	s18 =	simm.s32 $0x0;
	[bflag:$0x0] =	sbarrier.arrive $0xFFFF  }
.LBB2_2:
0x49: {  	p0 =	sne.s32 s18, $0x9E00  }
.Ltmp0:
0x4a: {  	_ = 	snop;
	(pc) =	sbr.rel @p0 .LBB2_2-.Ltmp0, $3  }
0x4b: {  	_ =	sdelay $0x1  }
0x4c: {  	s19 =	sshra.s32 s18, $0x2;
	s18 =	sadd.s32 $0x200, s18  }
0x4d: {  	[spmem:s2] =	stream.indirect.scatter.add.f32 [tilespmem:s11], [sflag:$0x1], $0x1, s19, s10, $0xb8;
	[tilespmem:$0x2D80] =	vst v63  }
0x4e: {  	_ =	swait.ge [sflag:s12], $0x80  }
0x4f: {  	s18 =	simm.s32 $0x4F;
	[sflag:s12] =	ssyncset.done $0x0  }
.LBB2_4:
0x50: {  	p0 =	sne.s32 s18, $0x1;
	s18 =	sadd.s32 $0xFFFFFFFF, s18;
	[sflag:s12] =	ssyncadd.s32 $0xFFFFFF80  }
.Ltmp1:
0x51: {  	(pc) =	sbr.rel @p0 .LBB2_4-.Ltmp1, $3  }
0x52: {  	_ =	sdelay $0x1  }
0x53: {  	_ =	swait.ge [sflag:s12], $0x80  }
0x54: {  	[sflag:s12] =	ssyncset.done $0x0  }
0x55: {  	s17 =	sadd.s32 $0x1, s17  }
0x56: {  	[sflag:s12] =	ssyncadd.s32 $0xFFFFFF80;
	p0 =	sne.s32 s17, s7  }
.Ltmp2:
0x57: {  	[bflag:$0x0] =	sbarrier.arrive $0xFFFF;
	(pc) =	sbr.rel @p0 .LBB2_1-.Ltmp2, $4  }
0x58: {  	[hbm:s6@s15], [sflag:s13] =	dma.strided [spmem:s14@s16], $0x50, s12, $0x10   }
0x59: {  	_ =	swait.ge [sflag:s9], $0x50  }
0x5a: {  	[sflag:s9] =	ssyncset.done $0x0  }
0x5b: {  	[sflag:s9] =	ssyncadd.s32 $0xFFFFFFB0  }
0x5c: {  	_ =	sfence.sel $0x180000  }
0x5d: {  	[bflag:$0x0] =	sbarrier.arrive $0xFFFF  }
0x5e: {  	p0 =	sne.s32 s1, $0x0;
	_ =	strace $0x90000047  }
0x5f: {  	s0 =	sadd.s32 @!p0 $0x100000, s0;
	[bflag:$0x2] =	sbarrier.arrive $0xFFFF  }
0x60: {  	[sflag:s0] =	ssyncadd.tile.s32 @!p0 $0x1;
	_ =	shalt  }
.Lfunc_end2:
_tile_overlayer_lowered:
.L_overlay_start_2:
0x61: {  	(tag) =	ssettag $0x2  }
0x62: {  	s0 =	rddreg [dreg:$0x0];
	s2 =	stileid.u32  }
0x63: {  	s1 =	rddreg [dreg:$0x1];
	p0 =	sne.s32 s2, $0x0  }
0x64: {  	s3 =	rddreg [dreg:$0x2];
	[bflag:$0x3] =	sbarrier.arrive $0xFFFF;
	s2 =	simm.s32 @!p0 $0x1C02  }
0x65: {  	[timem:s3], [sflag:s2] =	dma.local @!p0 [hbm:s0], s1  }
0x66: {  	s0 =	simm.s32 @!p0 $0x2  }
0x67: {  	_ =	swait.ge @!p0 [sflag:s0], s1  }
0x68: {  	s1 =	ssub.s32 @!p0 $0x0, s1;
	[sflag:s0] =	ssyncset.done @!p0 $0x0  }
0x69: {  	[sflag:s0] =	ssyncadd.s32 @!p0 s1  }
0x6a: {  	[bflag:$0x3] =	sbarrier.arrive $0xFFFF  }
0x6b: {  	_ =	shalt  }

</sc_bundles>
